<compile_context>
chip_gen: v7x
topology: tpu7x:2x2x1
jax: 0.10.2.dev20260603
libtpu: 0.0.44.dev20260713+nightly
codegen_flags: <defaults>
</compile_context>

<pallas_src>
import jax
import jax.numpy as jnp
from jax.experimental import pallas as pl
from jax.experimental.pallas import tpu as pltpu

_B = 128
_IOU_T = 0.5


def _nms_kernel(x1_ref, y1_ref, x2_ref, y2_ref, keep_ref, area_ref):
    nb = x1_ref.shape[0]
    area_ref[...] = (x2_ref[...] - x1_ref[...]) * (y2_ref[...] - y1_ref[...])
    keep_ref[...] = jnp.ones((nb, _B), jnp.int32)

    row_ids = jax.lax.broadcasted_iota(jnp.int32, (_B, _B), 0)
    col_ids = jax.lax.broadcasted_iota(jnp.int32, (_B, _B), 1)
    lane_ids = jax.lax.broadcasted_iota(jnp.int32, (1, _B), 1)

    def to_col(v_row):
        m = jnp.where(row_ids == col_ids, jnp.broadcast_to(v_row, (_B, _B)), 0.0)
        return jnp.sum(m, axis=1, keepdims=True)

    def outer(bi, carry):
        x1r = x1_ref[pl.ds(bi, 1), :]
        y1r = y1_ref[pl.ds(bi, 1), :]
        x2r = x2_ref[pl.ds(bi, 1), :]
        y2r = y2_ref[pl.ds(bi, 1), :]
        ar = area_ref[pl.ds(bi, 1), :]
        x1c = to_col(x1r)
        y1c = to_col(y1r)
        x2c = to_col(x2r)
        y2c = to_col(y2r)
        ac = to_col(ar)

        xx1 = jnp.maximum(x1c, x1r)
        yy1 = jnp.maximum(y1c, y1r)
        xx2 = jnp.minimum(x2c, x2r)
        yy2 = jnp.minimum(y2c, y2r)
        inter = jnp.maximum(xx2 - xx1, 0.0) * jnp.maximum(yy2 - yy1, 0.0)
        iou = inter / (ac + ar - inter)
        s_mat = jnp.where((iou > _IOU_T) & (col_ids > row_ids), 1, 0)

        kb = keep_ref[pl.ds(bi, 1), :]

        def intra(i, kb):
            keep_i = jnp.max(jnp.where(lane_ids == i, kb, 0))
            row_i = jnp.max(jnp.where(row_ids == i, s_mat, 0), axis=0, keepdims=True)
            return kb * (1 - row_i * keep_i)

        kb = jax.lax.fori_loop(0, _B, intra, kb)
        keep_ref[pl.ds(bi, 1), :] = kb
        kbc = to_col(kb.astype(jnp.float32))

        def inner(tb, carry2):
            tx1 = x1_ref[pl.ds(tb, 1), :]
            ty1 = y1_ref[pl.ds(tb, 1), :]
            tx2 = x2_ref[pl.ds(tb, 1), :]
            ty2 = y2_ref[pl.ds(tb, 1), :]
            ta = area_ref[pl.ds(tb, 1), :]
            xx1 = jnp.maximum(x1c, tx1)
            yy1 = jnp.maximum(y1c, ty1)
            xx2 = jnp.minimum(x2c, tx2)
            yy2 = jnp.minimum(y2c, ty2)
            inter = jnp.maximum(xx2 - xx1, 0.0) * jnp.maximum(yy2 - yy1, 0.0)
            iou = inter / (ac + ta - inter)
            sup = jnp.where((iou > _IOU_T) & (kbc > 0.5), 1, 0)
            sup_any = jnp.max(sup, axis=0, keepdims=True)
            keep_ref[pl.ds(tb, 1), :] = keep_ref[pl.ds(tb, 1), :] * (1 - sup_any)
            return carry2

        jax.lax.fori_loop(bi + 1, nb, inner, 0)
        return carry

    jax.lax.fori_loop(0, nb, outer, 0)


def _nms_keep_pallas(boxes_sorted):
    n = boxes_sorted.shape[0]
    nb = (n + _B - 1) // _B
    pad = nb * _B - n
    bp = jnp.concatenate(
        [boxes_sorted, jnp.zeros((pad, 4), boxes_sorted.dtype)], axis=0
    )
    x1 = bp[:, 0].reshape(nb, _B)
    y1 = bp[:, 1].reshape(nb, _B)
    x2 = bp[:, 2].reshape(nb, _B)
    y2 = bp[:, 3].reshape(nb, _B)
    keep = pl.pallas_call(
        _nms_kernel,
        out_shape=jax.ShapeDtypeStruct((nb, _B), jnp.int32),
        scratch_shapes=[pltpu.VMEM((nb, _B), jnp.float32)],
    )(x1, y1, x2, y2)
    return keep.reshape(-1)[:n].astype(bool)


def _smooth_l1_sum(pred, target):
    pred_b, target_b = jnp.broadcast_arrays(pred, target)
    d = jnp.abs(pred_b - target_b)
    loss = jnp.where(d < 1.0, 0.5 * d * d, d - 0.5)
    return jnp.sum(loss)


def _focal_loss(pred, target, alpha, gamma):
    logp = jax.nn.log_softmax(pred, axis=-1)
    ce = -jnp.sum(target * logp)
    p_t = jnp.exp(-ce)
    loss = alpha * (1.0 - p_t) ** gamma * ce
    return jnp.sum(loss)


def kernel(loc, conf, target_boxes, target_labels):
    alpha, gamma = 0.25, 2.0
    conf_threshold = 0.6
    confidence_scores = jnp.max(conf, axis=1)
    mask = confidence_scores > conf_threshold
    boxes_all = loc[0]
    score_all = conf[:, 0]
    order = jnp.argsort(-jnp.where(mask, score_all, -jnp.inf))
    boxes_sorted = boxes_all[order]
    keep_greedy = _nms_keep_pallas(boxes_sorted)
    keep_sorted = keep_greedy & mask[order]
    conf_sorted = conf[order]
    conf_eff = jnp.where(keep_sorted[:, None], conf_sorted, -jnp.inf)
    k = target_labels.shape[0]
    vals_t, idx_t = jax.lax.top_k(conf_eff.T, k)
    matched_conf_topk = vals_t.T
    indices = idx_t.T
    matched_conf_bin = (matched_conf_topk[:, 0] > 0.5).astype(jnp.float32)
    matched_target_labels = target_labels.astype(jnp.float32)
    pred_box = boxes_sorted[indices, :]
    loc_loss = _smooth_l1_sum(pred_box, target_boxes)
    conf_loss = _focal_loss(matched_conf_bin, matched_target_labels, alpha, gamma)
    compact_idx = jnp.cumsum(mask) - 1
    num_positives = jnp.sum(jnp.where(keep_sorted, compact_idx[order], 0)).astype(jnp.float32)
    return (loc_loss + conf_loss) / num_positives

# --- scband reference (transcript-rebuilt; emitter-appended) ---
"""Pipeline reference for scband-bounding-box-loss-processor-14156212208285 (READ-ONLY COPY).

The authoritative reference and input builder live on the scoring server;
editing this copy changes nothing except your own understanding.
"""

import jax, jax.numpy as jnp
import numpy as np


def _nms(boxes, scores, valid, iou_threshold):
    # torchvision-style greedy NMS over all boxes; invalid entries get -inf score
    # so they sort last and can only suppress other invalid entries.
    order = jnp.argsort(-jnp.where(valid, scores, -jnp.inf))
    b = boxes[order]
    n = b.shape[0]
    x1, y1, x2, y2 = b[:, 0], b[:, 1], b[:, 2], b[:, 3]
    areas = (x2 - x1) * (y2 - y1)
    idxs = jnp.arange(n)

    def body(i, keep):
        xx1 = jnp.maximum(x1[i], x1)
        yy1 = jnp.maximum(y1[i], y1)
        xx2 = jnp.minimum(x2[i], x2)
        yy2 = jnp.minimum(y2[i], y2)
        w = jnp.maximum(xx2 - xx1, 0.0)
        h = jnp.maximum(yy2 - yy1, 0.0)
        inter = w * h
        iou = inter / (areas[i] + areas - inter)
        suppress = (iou > iou_threshold) & (idxs > i) & keep[i]
        return keep & (~suppress)

    keep = jax.lax.fori_loop(0, n, body, jnp.ones((n,), dtype=bool))
    return order, keep & valid[order]


def _smooth_l1_sum(pred, target):
    pred_b, target_b = jnp.broadcast_arrays(pred, target)
    d = jnp.abs(pred_b - target_b)
    loss = jnp.where(d < 1.0, 0.5 * d * d, d - 0.5)
    return jnp.sum(loss)


def _focal_loss(pred, target, alpha, gamma):
    # F.cross_entropy with probability-style (same-shape float) target, unbatched 1D input
    logp = jax.nn.log_softmax(pred, axis=-1)
    ce = -jnp.sum(target * logp)
    p_t = jnp.exp(-ce)
    loss = alpha * (1.0 - p_t) ** gamma * ce
    return jnp.sum(loss)


def setup_inputs(seed: int = 0) -> dict:
    key = jax.random.key(seed)
    k1, k2, k3, k4 = jax.random.split(key, 4)
    loc = jax.random.uniform(k1, (1, 20000, 4), dtype=jnp.float32)
    conf = jax.random.uniform(k2, (20000, 80), dtype=jnp.float32)
    target_boxes = jax.random.uniform(k3, (80, 4), dtype=jnp.float32)
    target_labels = jax.random.randint(k4, (80,), 0, 80, dtype=jnp.int64 if jax.config.jax_enable_x64 else jnp.int32)
    return {"loc": loc, "conf": conf, "target_boxes": target_boxes, "target_labels": target_labels}


def reference(loc, conf, target_boxes, target_labels):
    alpha, gamma = 0.25, 2.0
    conf_threshold, iou_threshold = 0.6, 0.5
    confidence_scores = jnp.max(conf, axis=1)
    mask = confidence_scores > conf_threshold
    boxes_all = loc[0]          # [N, 4]
    score_all = conf[:, 0]      # [N]
    order, keep_sorted = _nms(
        jax.lax.stop_gradient(boxes_all), jax.lax.stop_gradient(score_all), mask, iou_threshold
    )
    loc_sorted = boxes_all[order]   # [N, 4], kept rows at their sorted positions
    conf_sorted = conf[order]       # [N, C]
    conf_eff = jnp.where(keep_sorted[:, None], conf_sorted, -jnp.inf)
    k = target_labels.shape[0]
    # torch.topk(matched_conf, k, dim=0): per-column top-k; -inf filler rows are
    # never selected when at least k rows are kept (values lie in [0, 1)).
    vals_t, idx_t = jax.lax.top_k(conf_eff.T, k)
    matched_conf_topk = vals_t.T   # [k, C]
    indices = idx_t.T              # [k, C]
    matched_conf_bin = (matched_conf_topk[:, 0] > 0.5).astype(jnp.float32)  # [k]
    matched_target_labels = target_labels.astype(jnp.float32)
    pred_box = loc_sorted[indices, :]  # [k, C, 4]
    loc_loss = _smooth_l1_sum(pred_box, target_boxes)
    conf_loss = _focal_loss(matched_conf_bin, matched_target_labels, alpha, gamma)
    # compacted index of each kept box within the boolean-filtered array
    compact_idx = jnp.cumsum(mask) - 1
    num_positives = jnp.sum(jnp.where(keep_sorted, compact_idx[order], 0)).astype(jnp.float32)
    total_loss = (loc_loss + conf_loss) / num_positives
    return total_loss

if __name__ == "__main__":
    import jax
    _d = setup_inputs()
    print(jax.jit(kernel)(*tuple(_d.values())))

</pallas_src>

<mosaic_0001>
module attributes {stable_mosaic.version = 14 : i64} {
  func.func @_nms_kernel(%arg0: memref<157x128xf32, #tpu.memory_space<vmem>>, %arg1: memref<157x128xf32, #tpu.memory_space<vmem>>, %arg2: memref<157x128xf32, #tpu.memory_space<vmem>>, %arg3: memref<157x128xf32, #tpu.memory_space<vmem>>, %arg4: memref<157x128xi32, #tpu.memory_space<vmem>>, %arg5: memref<157x128xf32, #tpu.memory_space<vmem>>) attributes {dimension_semantics = [], scalar_prefetch = 0 : i64, scratch_operands = 1 : i64, tpu.core_type = #tpu.core_type<tc>} {
    %get3A = arith.constant 0 : index
    %get3A_0 = arith.constant 0 : index
    %get3A_1 = vector.load %arg2[%get3A, %get3A_0] : memref<157x128xf32, #tpu.memory_space<vmem>>, vector<157x128xf32>
    %get3A_2 = arith.constant 0 : index
    %get3A_3 = arith.constant 0 : index
    %get3A_4 = vector.load %arg0[%get3A_2, %get3A_3] : memref<157x128xf32, #tpu.memory_space<vmem>>, vector<157x128xf32>
    %sub3A = arith.subf %get3A_1, %get3A_4 : vector<157x128xf32>
    %get3A_5 = arith.constant 0 : index
    %get3A_6 = arith.constant 0 : index
    %get3A_7 = vector.load %arg3[%get3A_5, %get3A_6] : memref<157x128xf32, #tpu.memory_space<vmem>>, vector<157x128xf32>
    %get3A_8 = arith.constant 0 : index
    %get3A_9 = arith.constant 0 : index
    %get3A_10 = vector.load %arg1[%get3A_8, %get3A_9] : memref<157x128xf32, #tpu.memory_space<vmem>>, vector<157x128xf32>
    %sub3A_11 = arith.subf %get3A_7, %get3A_10 : vector<157x128xf32>
    %mul3A = arith.mulf %sub3A, %sub3A_11 : vector<157x128xf32>
    %swap3A = arith.constant 0 : index
    %swap3A_12 = arith.constant 0 : index
    %swap3A_13 = vector.load %arg5[%swap3A, %swap3A_12] : memref<157x128xf32, #tpu.memory_space<vmem>>, vector<157x128xf32>
    tpu.vector_store %arg5[%swap3A, %swap3A_12], %mul3A {strides = array<i32>} : memref<157x128xf32, #tpu.memory_space<vmem>>, vector<157x128xf32>,
    %broadcast_in_dim3A = arith.constant 1 : i32
    %broadcast_in_dim3A_14 = vector.broadcast %broadcast_in_dim3A : i32 to vector<157x128xi32>
    %swap3A_15 = arith.constant 0 : index
    %swap3A_16 = arith.constant 0 : index
    %swap3A_17 = vector.load %arg4[%swap3A_15, %swap3A_16] : memref<157x128xi32, #tpu.memory_space<vmem>>, vector<157x128xi32>
    tpu.vector_store %arg4[%swap3A_15, %swap3A_16], %broadcast_in_dim3A_14 {strides = array<i32>} : memref<157x128xi32, #tpu.memory_space<vmem>>, vector<157x128xi32>,
    %iota3A = tpu.iota {dimensions = array<i32: 0>} : vector<128x128xi32>
    %iota3A_18 = tpu.iota {dimensions = array<i32: 1>} : vector<128x128xi32>
    %iota3A_19 = tpu.iota {dimensions = array<i32: 1>} : vector<1x128xi32>
    %scan3A = arith.constant 0 : i32
    %scan3A_20 = arith.constant 157 : i32
    %scan3A_21 = arith.addi %scan3A, %scan3A_20 : i32
    %scan3A_22 = arith.constant 1 : i32
    scf.for %scan3A_24 = %scan3A to %scan3A_21 step %scan3A_22  : i32 {
      %get3A_25 = arith.index_cast %scan3A_24 : i32 to index
      %get3A_26 = arith.constant 0 : index
      %get3A_27 = vector.load %arg0[%get3A_25, %get3A_26] : memref<157x128xf32, #tpu.memory_space<vmem>>, vector<1x128xf32>
      %get3A_28 = arith.index_cast %scan3A_24 : i32 to index
      %get3A_29 = arith.constant 0 : index
      %get3A_30 = vector.load %arg1[%get3A_28, %get3A_29] : memref<157x128xf32, #tpu.memory_space<vmem>>, vector<1x128xf32>
      %get3A_31 = arith.index_cast %scan3A_24 : i32 to index
      %get3A_32 = arith.constant 0 : index
      %get3A_33 = vector.load %arg2[%get3A_31, %get3A_32] : memref<157x128xf32, #tpu.memory_space<vmem>>, vector<1x128xf32>
      %get3A_34 = arith.index_cast %scan3A_24 : i32 to index
      %get3A_35 = arith.constant 0 : index
      %get3A_36 = vector.load %arg3[%get3A_34, %get3A_35] : memref<157x128xf32, #tpu.memory_space<vmem>>, vector<1x128xf32>
      %get3A_37 = arith.index_cast %scan3A_24 : i32 to index
      %get3A_38 = arith.constant 0 : index
      %get3A_39 = vector.load %arg5[%get3A_37, %get3A_38] : memref<157x128xf32, #tpu.memory_space<vmem>>, vector<1x128xf32>
      %eq3A = arith.cmpi eq, %iota3A, %iota3A_18 : vector<128x128xi32>
      %broadcast_in_dim3A_40 = vector.shape_cast %get3A_27 : vector<1x128xf32> to vector<1x128xf32>
      %broadcast_in_dim3A_41 = vector.broadcast %broadcast_in_dim3A_40 : vector<1x128xf32> to vector<128x128xf32>
      %jit3A = arith.constant 0.000000e+00 : f32
      %broadcast_in_dim3A_42 = vector.broadcast %jit3A : f32 to vector<128x128xf32>
      %select_n3A = arith.select %eq3A, %broadcast_in_dim3A_41, %broadcast_in_dim3A_42 : vector<128x128xi1>, vector<128x128xf32>
      %reduce_sum3A = arith.constant dense<0.000000e+00> : vector<128xf32>
      %reduce_sum3A_43 = vector.multi_reduction <add>, %select_n3A, %reduce_sum3A [1] : vector<128x128xf32> to vector<128xf32>
      %broadcast_in_dim3A_44 = vector.shape_cast %reduce_sum3A_43 : vector<128xf32> to vector<128x1xf32>
      %eq3A_45 = arith.cmpi eq, %iota3A, %iota3A_18 : vector<128x128xi32>
      %broadcast_in_dim3A_46 = vector.shape_cast %get3A_30 : vector<1x128xf32> to vector<1x128xf32>
      %broadcast_in_dim3A_47 = vector.broadcast %broadcast_in_dim3A_46 : vector<1x128xf32> to vector<128x128xf32>
      %jit3A_48 = arith.constant 0.000000e+00 : f32
      %broadcast_in_dim3A_49 = vector.broadcast %jit3A_48 : f32 to vector<128x128xf32>
      %select_n3A_50 = arith.select %eq3A_45, %broadcast_in_dim3A_47, %broadcast_in_dim3A_49 : vector<128x128xi1>, vector<128x128xf32>
      %reduce_sum3A_51 = arith.constant dense<0.000000e+00> : vector<128xf32>
      %reduce_sum3A_52 = vector.multi_reduction <add>, %select_n3A_50, %reduce_sum3A_51 [1] : vector<128x128xf32> to vector<128xf32>
      %broadcast_in_dim3A_53 = vector.shape_cast %reduce_sum3A_52 : vector<128xf32> to vector<128x1xf32>
      %eq3A_54 = arith.cmpi eq, %iota3A, %iota3A_18 : vector<128x128xi32>
      %broadcast_in_dim3A_55 = vector.shape_cast %get3A_33 : vector<1x128xf32> to vector<1x128xf32>
      %broadcast_in_dim3A_56 = vector.broadcast %broadcast_in_dim3A_55 : vector<1x128xf32> to vector<128x128xf32>
      %jit3A_57 = arith.constant 0.000000e+00 : f32
      %broadcast_in_dim3A_58 = vector.broadcast %jit3A_57 : f32 to vector<128x128xf32>
      %select_n3A_59 = arith.select %eq3A_54, %broadcast_in_dim3A_56, %broadcast_in_dim3A_58 : vector<128x128xi1>, vector<128x128xf32>
      %reduce_sum3A_60 = arith.constant dense<0.000000e+00> : vector<128xf32>
      %reduce_sum3A_61 = vector.multi_reduction <add>, %select_n3A_59, %reduce_sum3A_60 [1] : vector<128x128xf32> to vector<128xf32>
      %broadcast_in_dim3A_62 = vector.shape_cast %reduce_sum3A_61 : vector<128xf32> to vector<128x1xf32>
      %eq3A_63 = arith.cmpi eq, %iota3A, %iota3A_18 : vector<128x128xi32>
      %broadcast_in_dim3A_64 = vector.shape_cast %get3A_36 : vector<1x128xf32> to vector<1x128xf32>
      %broadcast_in_dim3A_65 = vector.broadcast %broadcast_in_dim3A_64 : vector<1x128xf32> to vector<128x128xf32>
      %jit3A_66 = arith.constant 0.000000e+00 : f32
      %broadcast_in_dim3A_67 = vector.broadcast %jit3A_66 : f32 to vector<128x128xf32>
      %select_n3A_68 = arith.select %eq3A_63, %broadcast_in_dim3A_65, %broadcast_in_dim3A_67 : vector<128x128xi1>, vector<128x128xf32>
      %reduce_sum3A_69 = arith.constant dense<0.000000e+00> : vector<128xf32>
      %reduce_sum3A_70 = vector.multi_reduction <add>, %select_n3A_68, %reduce_sum3A_69 [1] : vector<128x128xf32> to vector<128xf32>
      %broadcast_in_dim3A_71 = vector.shape_cast %reduce_sum3A_70 : vector<128xf32> to vector<128x1xf32>
      %eq3A_72 = arith.cmpi eq, %iota3A, %iota3A_18 : vector<128x128xi32>
      %broadcast_in_dim3A_73 = vector.shape_cast %get3A_39 : vector<1x128xf32> to vector<1x128xf32>
      %broadcast_in_dim3A_74 = vector.broadcast %broadcast_in_dim3A_73 : vector<1x128xf32> to vector<128x128xf32>
      %jit3A_75 = arith.constant 0.000000e+00 : f32
      %broadcast_in_dim3A_76 = vector.broadcast %jit3A_75 : f32 to vector<128x128xf32>
      %select_n3A_77 = arith.select %eq3A_72, %broadcast_in_dim3A_74, %broadcast_in_dim3A_76 : vector<128x128xi1>, vector<128x128xf32>
      %reduce_sum3A_78 = arith.constant dense<0.000000e+00> : vector<128xf32>
      %reduce_sum3A_79 = vector.multi_reduction <add>, %select_n3A_77, %reduce_sum3A_78 [1] : vector<128x128xf32> to vector<128xf32>
      %broadcast_in_dim3A_80 = vector.shape_cast %reduce_sum3A_79 : vector<128xf32> to vector<128x1xf32>
      %max3A = vector.broadcast %broadcast_in_dim3A_44 : vector<128x1xf32> to vector<128x128xf32>
      %max3A_81 = vector.broadcast %get3A_27 : vector<1x128xf32> to vector<128x128xf32>
      %max3A_82 = arith.maximumf %max3A, %max3A_81 : vector<128x128xf32>
      %max3A_83 = vector.broadcast %broadcast_in_dim3A_53 : vector<128x1xf32> to vector<128x128xf32>
      %max3A_84 = vector.broadcast %get3A_30 : vector<1x128xf32> to vector<128x128xf32>
      %max3A_85 = arith.maximumf %max3A_83, %max3A_84 : vector<128x128xf32>
      %min3A = vector.broadcast %broadcast_in_dim3A_62 : vector<128x1xf32> to vector<128x128xf32>
      %min3A_86 = vector.broadcast %get3A_33 : vector<1x128xf32> to vector<128x128xf32>
      %min3A_87 = arith.minimumf %min3A, %min3A_86 : vector<128x128xf32>
      %min3A_88 = vector.broadcast %broadcast_in_dim3A_71 : vector<128x1xf32> to vector<128x128xf32>
      %min3A_89 = vector.broadcast %get3A_36 : vector<1x128xf32> to vector<128x128xf32>
      %min3A_90 = arith.minimumf %min3A_88, %min3A_89 : vector<128x128xf32>
      %sub3A_91 = arith.subf %min3A_87, %max3A_82 : vector<128x128xf32>
      %max3A_92 = arith.constant 0.000000e+00 : f32
      %max3A_93 = vector.broadcast %max3A_92 : f32 to vector<128x128xf32>
      %max3A_94 = arith.maximumf %sub3A_91, %max3A_93 : vector<128x128xf32>
      %sub3A_95 = arith.subf %min3A_90, %max3A_85 : vector<128x128xf32>
      %max3A_96 = arith.constant 0.000000e+00 : f32
      %max3A_97 = vector.broadcast %max3A_96 : f32 to vector<128x128xf32>
      %max3A_98 = arith.maximumf %sub3A_95, %max3A_97 : vector<128x128xf32>
      %mul3A_99 = arith.mulf %max3A_94, %max3A_98 : vector<128x128xf32>
      %add3A = vector.broadcast %broadcast_in_dim3A_80 : vector<128x1xf32> to vector<128x128xf32>
      %add3A_100 = vector.broadcast %get3A_39 : vector<1x128xf32> to vector<128x128xf32>
      %add3A_101 = arith.addf %add3A, %add3A_100 : vector<128x128xf32>
      %sub3A_102 = arith.subf %add3A_101, %mul3A_99 : vector<128x128xf32>
      %div3A = arith.divf %mul3A_99, %sub3A_102 : vector<128x128xf32>
      %gt3A = arith.constant 5.000000e-01 : f32
      %gt3A_103 = vector.broadcast %gt3A : f32 to vector<128x128xf32>
      %gt3A_104 = arith.cmpf ogt, %div3A, %gt3A_103 : vector<128x128xf32>
      %gt3A_105 = arith.cmpi sgt, %iota3A_18, %iota3A : vector<128x128xi32>
      %and3A = arith.andi %gt3A_104, %gt3A_105 : vector<128x128xi1>
      %jit3A_106 = arith.constant 1 : i32
      %jit3A_107 = arith.constant 0 : i32
      %broadcast_in_dim3A_108 = vector.broadcast %jit3A_106 : i32 to vector<128x128xi32>
      %broadcast_in_dim3A_109 = vector.broadcast %jit3A_107 : i32 to vector<128x128xi32>
      %select_n3A_110 = arith.select %and3A, %broadcast_in_dim3A_108, %broadcast_in_dim3A_109 : vector<128x128xi1>, vector<128x128xi32>
      %get3A_111 = arith.index_cast %scan3A_24 : i32 to index
      %get3A_112 = arith.constant 0 : index
      %get3A_113 = vector.load %arg4[%get3A_111, %get3A_112] : memref<157x128xi32, #tpu.memory_space<vmem>>, vector<1x128xi32>
      %scan3A_114 = arith.constant 0 : i32
      %scan3A_115 = arith.constant 128 : i32
      %scan3A_116 = arith.addi %scan3A_114, %scan3A_115 : i32
      %scan3A_117 = arith.constant 1 : i32
      %scan3A_118 = scf.for %scan3A_143 = %scan3A_114 to %scan3A_116 step %scan3A_117 iter_args(%scan3A_144 = %get3A_113) -> (vector<1x128xi32>)  : i32 {
        %eq3A_145 = vector.broadcast %scan3A_143 : i32 to vector<1x128xi32>
        %eq3A_146 = arith.cmpi eq, %iota3A_19, %eq3A_145 : vector<1x128xi32>
        %jit3A_147 = arith.constant 0 : i32
        %broadcast_in_dim3A_148 = vector.broadcast %jit3A_147 : i32 to vector<1x128xi32>
        %select_n3A_149 = arith.select %eq3A_146, %scan3A_144, %broadcast_in_dim3A_148 : vector<1x128xi1>, vector<1x128xi32>
        %reduce_max3A = vector.shape_cast %select_n3A_149 : vector<1x128xi32> to vector<1x1x128xi32>
        %reduce_max3A_150 = arith.constant dense<-2147483648> : vector<1xi32>
        %reduce_max3A_151 = vector.multi_reduction <maxsi>, %reduce_max3A, %reduce_max3A_150 [1, 2] : vector<1x1x128xi32> to vector<1xi32>
        %reduce_max3A_152 = vector.shape_cast %reduce_max3A_151 : vector<1xi32> to vector<1x1x1xi32>
        %reduce_max3A_153 = vector.extract %reduce_max3A_152[0, 0, 0] : i32 from vector<1x1x1xi32>
        %eq3A_154 = vector.broadcast %scan3A_143 : i32 to vector<128x128xi32>
        %eq3A_155 = arith.cmpi eq, %iota3A, %eq3A_154 : vector<128x128xi32>
        %jit3A_156 = arith.constant 0 : i32
        %broadcast_in_dim3A_157 = vector.broadcast %jit3A_156 : i32 to vector<128x128xi32>
        %select_n3A_158 = arith.select %eq3A_155, %select_n3A_110, %broadcast_in_dim3A_157 : vector<128x128xi1>, vector<128x128xi32>
        %reduce_max3A_159 = arith.constant dense<-2147483648> : vector<128xi32>
        %reduce_max3A_160 = vector.multi_reduction <maxsi>, %select_n3A_158, %reduce_max3A_159 [0] : vector<128x128xi32> to vector<128xi32>
        %broadcast_in_dim3A_161 = vector.shape_cast %reduce_max3A_160 : vector<128xi32> to vector<1x128xi32>
        %mul3A_162 = vector.broadcast %reduce_max3A_153 : i32 to vector<1x128xi32>
        %mul3A_163 = arith.muli %broadcast_in_dim3A_161, %mul3A_162 : vector<1x128xi32>
        %sub3A_164 = arith.constant 1 : i32
        %sub3A_165 = vector.broadcast %sub3A_164 : i32 to vector<1x128xi32>
        %sub3A_166 = arith.subi %sub3A_165, %mul3A_163 : vector<1x128xi32>
        %mul3A_167 = arith.muli %scan3A_144, %sub3A_166 : vector<1x128xi32>
        scf.yield %mul3A_167 : vector<1x128xi32>
      }
      %scan3A_119 = arith.constant 128 : i32
      %swap3A_120 = arith.index_cast %scan3A_24 : i32 to index
      %swap3A_121 = arith.constant 0 : index
      %swap3A_122 = vector.load %arg4[%swap3A_120, %swap3A_121] : memref<157x128xi32, #tpu.memory_space<vmem>>, vector<1x128xi32>
      tpu.vector_store %arg4[%swap3A_120, %swap3A_121], %scan3A_118 {strides = array<i32>} : memref<157x128xi32, #tpu.memory_space<vmem>>, vector<1x128xi32>,
      %convert_element_type3A = arith.sitofp %scan3A_118 : vector<1x128xi32> to vector<1x128xf32>
      %eq3A_123 = arith.cmpi eq, %iota3A, %iota3A_18 : vector<128x128xi32>
      %broadcast_in_dim3A_124 = vector.shape_cast %convert_element_type3A : vector<1x128xf32> to vector<1x128xf32>
      %broadcast_in_dim3A_125 = vector.broadcast %broadcast_in_dim3A_124 : vector<1x128xf32> to vector<128x128xf32>
      %jit3A_126 = arith.constant 0.000000e+00 : f32
      %broadcast_in_dim3A_127 = vector.broadcast %jit3A_126 : f32 to vector<128x128xf32>
      %select_n3A_128 = arith.select %eq3A_123, %broadcast_in_dim3A_125, %broadcast_in_dim3A_127 : vector<128x128xi1>, vector<128x128xf32>
      %reduce_sum3A_129 = arith.constant dense<0.000000e+00> : vector<128xf32>
      %reduce_sum3A_130 = vector.multi_reduction <add>, %select_n3A_128, %reduce_sum3A_129 [1] : vector<128x128xf32> to vector<128xf32>
      %broadcast_in_dim3A_131 = vector.shape_cast %reduce_sum3A_130 : vector<128xf32> to vector<128x1xf32>
      %add3A_132 = arith.constant 1 : i32
      %add3A_133 = arith.addi %scan3A_24, %add3A_132 : i32
      %while3A = arith.constant 0 : i32
      %while3A_134 = arith.constant 157 : i32
      %while3A_135 = arith.subi %while3A_134, %add3A_133 : i32
      %while3A_136 = arith.addi %add3A_133, %while3A_135 : i32
      %while3A_137 = arith.constant 1 : i32
      %while3A_138 = arith.divsi %while3A_135, %while3A_137 : i32
      %while3A_139 = arith.muli %while3A_138, %while3A_137 : i32
      %while3A_140 = arith.addi %add3A_133, %while3A_139 : i32
      %while3A_141 = arith.constant 1 : i32
      scf.for %while3A_143 = %add3A_133 to %while3A_140 step %while3A_141  : i32 {
        %get3A_144 = arith.index_cast %while3A_143 : i32 to index
        %get3A_145 = arith.constant 0 : index
        %get3A_146 = vector.load %arg0[%get3A_144, %get3A_145] : memref<157x128xf32, #tpu.memory_space<vmem>>, vector<1x128xf32>
        %get3A_147 = arith.index_cast %while3A_143 : i32 to index
        %get3A_148 = arith.constant 0 : index
        %get3A_149 = vector.load %arg1[%get3A_147, %get3A_148] : memref<157x128xf32, #tpu.memory_space<vmem>>, vector<1x128xf32>
        %get3A_150 = arith.index_cast %while3A_143 : i32 to index
        %get3A_151 = arith.constant 0 : index
        %get3A_152 = vector.load %arg2[%get3A_150, %get3A_151] : memref<157x128xf32, #tpu.memory_space<vmem>>, vector<1x128xf32>
        %get3A_153 = arith.index_cast %while3A_143 : i32 to index
        %get3A_154 = arith.constant 0 : index
        %get3A_155 = vector.load %arg3[%get3A_153, %get3A_154] : memref<157x128xf32, #tpu.memory_space<vmem>>, vector<1x128xf32>
        %get3A_156 = arith.index_cast %while3A_143 : i32 to index
        %get3A_157 = arith.constant 0 : index
        %get3A_158 = vector.load %arg5[%get3A_156, %get3A_157] : memref<157x128xf32, #tpu.memory_space<vmem>>, vector<1x128xf32>
        %max3A_159 = vector.broadcast %broadcast_in_dim3A_44 : vector<128x1xf32> to vector<128x128xf32>
        %max3A_160 = vector.broadcast %get3A_146 : vector<1x128xf32> to vector<128x128xf32>
        %max3A_161 = arith.maximumf %max3A_159, %max3A_160 : vector<128x128xf32>
        %max3A_162 = vector.broadcast %broadcast_in_dim3A_53 : vector<128x1xf32> to vector<128x128xf32>
        %max3A_163 = vector.broadcast %get3A_149 : vector<1x128xf32> to vector<128x128xf32>
        %max3A_164 = arith.maximumf %max3A_162, %max3A_163 : vector<128x128xf32>
        %min3A_165 = vector.broadcast %broadcast_in_dim3A_62 : vector<128x1xf32> to vector<128x128xf32>
        %min3A_166 = vector.broadcast %get3A_152 : vector<1x128xf32> to vector<128x128xf32>
        %min3A_167 = arith.minimumf %min3A_165, %min3A_166 : vector<128x128xf32>
        %min3A_168 = vector.broadcast %broadcast_in_dim3A_71 : vector<128x1xf32> to vector<128x128xf32>
        %min3A_169 = vector.broadcast %get3A_155 : vector<1x128xf32> to vector<128x128xf32>
        %min3A_170 = arith.minimumf %min3A_168, %min3A_169 : vector<128x128xf32>
        %sub3A_171 = arith.subf %min3A_167, %max3A_161 : vector<128x128xf32>
        %max3A_172 = arith.constant 0.000000e+00 : f32
        %max3A_173 = vector.broadcast %max3A_172 : f32 to vector<128x128xf32>
        %max3A_174 = arith.maximumf %sub3A_171, %max3A_173 : vector<128x128xf32>
        %sub3A_175 = arith.subf %min3A_170, %max3A_164 : vector<128x128xf32>
        %max3A_176 = arith.constant 0.000000e+00 : f32
        %max3A_177 = vector.broadcast %max3A_176 : f32 to vector<128x128xf32>
        %max3A_178 = arith.maximumf %sub3A_175, %max3A_177 : vector<128x128xf32>
        %mul3A_179 = arith.mulf %max3A_174, %max3A_178 : vector<128x128xf32>
        %add3A_180 = vector.broadcast %broadcast_in_dim3A_80 : vector<128x1xf32> to vector<128x128xf32>
        %add3A_181 = vector.broadcast %get3A_158 : vector<1x128xf32> to vector<128x128xf32>
        %add3A_182 = arith.addf %add3A_180, %add3A_181 : vector<128x128xf32>
        %sub3A_183 = arith.subf %add3A_182, %mul3A_179 : vector<128x128xf32>
        %div3A_184 = arith.divf %mul3A_179, %sub3A_183 : vector<128x128xf32>
        %gt3A_185 = arith.constant 5.000000e-01 : f32
        %gt3A_186 = vector.broadcast %gt3A_185 : f32 to vector<128x128xf32>
        %gt3A_187 = arith.cmpf ogt, %div3A_184, %gt3A_186 : vector<128x128xf32>
        %gt3A_188 = arith.constant 5.000000e-01 : f32
        %gt3A_189 = vector.broadcast %gt3A_188 : f32 to vector<128x1xf32>
        %gt3A_190 = arith.cmpf ogt, %broadcast_in_dim3A_131, %gt3A_189 : vector<128x1xf32>
        %and3A_191 = vector.broadcast %gt3A_190 : vector<128x1xi1> to vector<128x128xi1>
        %and3A_192 = arith.andi %gt3A_187, %and3A_191 : vector<128x128xi1>
        %jit3A_193 = arith.constant 1 : i32
        %jit3A_194 = arith.constant 0 : i32
        %broadcast_in_dim3A_195 = vector.broadcast %jit3A_193 : i32 to vector<128x128xi32>
        %broadcast_in_dim3A_196 = vector.broadcast %jit3A_194 : i32 to vector<128x128xi32>
        %select_n3A_197 = arith.select %and3A_192, %broadcast_in_dim3A_195, %broadcast_in_dim3A_196 : vector<128x128xi1>, vector<128x128xi32>
        %reduce_max3A = arith.constant dense<-2147483648> : vector<128xi32>
        %reduce_max3A_198 = vector.multi_reduction <maxsi>, %select_n3A_197, %reduce_max3A [0] : vector<128x128xi32> to vector<128xi32>
        %broadcast_in_dim3A_199 = vector.shape_cast %reduce_max3A_198 : vector<128xi32> to vector<1x128xi32>
        %get3A_200 = arith.index_cast %while3A_143 : i32 to index
        %get3A_201 = arith.constant 0 : index
        %get3A_202 = vector.load %arg4[%get3A_200, %get3A_201] : memref<157x128xi32, #tpu.memory_space<vmem>>, vector<1x128xi32>
        %sub3A_203 = arith.constant 1 : i32
        %sub3A_204 = vector.broadcast %sub3A_203 : i32 to vector<1x128xi32>
        %sub3A_205 = arith.subi %sub3A_204, %broadcast_in_dim3A_199 : vector<1x128xi32>
        %mul3A_206 = arith.muli %get3A_202, %sub3A_205 : vector<1x128xi32>
        %swap3A_207 = arith.index_cast %while3A_143 : i32 to index
        %swap3A_208 = arith.constant 0 : index
        %swap3A_209 = vector.load %arg4[%swap3A_207, %swap3A_208] : memref<157x128xi32, #tpu.memory_space<vmem>>, vector<1x128xi32>
        tpu.vector_store %arg4[%swap3A_207, %swap3A_208], %mul3A_206 {strides = array<i32>} : memref<157x128xi32, #tpu.memory_space<vmem>>, vector<1x128xi32>,
      }
      %while3A_142 = arith.constant 1 : i32
      scf.for %while3A_143 = %while3A_140 to %while3A_136 step %while3A_142  : i32 {
        %get3A_144 = arith.index_cast %while3A_143 : i32 to index
        %get3A_145 = arith.constant 0 : index
        %get3A_146 = vector.load %arg0[%get3A_144, %get3A_145] : memref<157x128xf32, #tpu.memory_space<vmem>>, vector<1x128xf32>
        %get3A_147 = arith.index_cast %while3A_143 : i32 to index
        %get3A_148 = arith.constant 0 : index
        %get3A_149 = vector.load %arg1[%get3A_147, %get3A_148] : memref<157x128xf32, #tpu.memory_space<vmem>>, vector<1x128xf32>
        %get3A_150 = arith.index_cast %while3A_143 : i32 to index
        %get3A_151 = arith.constant 0 : index
        %get3A_152 = vector.load %arg2[%get3A_150, %get3A_151] : memref<157x128xf32, #tpu.memory_space<vmem>>, vector<1x128xf32>
        %get3A_153 = arith.index_cast %while3A_143 : i32 to index
        %get3A_154 = arith.constant 0 : index
        %get3A_155 = vector.load %arg3[%get3A_153, %get3A_154] : memref<157x128xf32, #tpu.memory_space<vmem>>, vector<1x128xf32>
        %get3A_156 = arith.index_cast %while3A_143 : i32 to index
        %get3A_157 = arith.constant 0 : index
        %get3A_158 = vector.load %arg5[%get3A_156, %get3A_157] : memref<157x128xf32, #tpu.memory_space<vmem>>, vector<1x128xf32>
        %max3A_159 = vector.broadcast %broadcast_in_dim3A_44 : vector<128x1xf32> to vector<128x128xf32>
        %max3A_160 = vector.broadcast %get3A_146 : vector<1x128xf32> to vector<128x128xf32>
        %max3A_161 = arith.maximumf %max3A_159, %max3A_160 : vector<128x128xf32>
        %max3A_162 = vector.broadcast %broadcast_in_dim3A_53 : vector<128x1xf32> to vector<128x128xf32>
        %max3A_163 = vector.broadcast %get3A_149 : vector<1x128xf32> to vector<128x128xf32>
        %max3A_164 = arith.maximumf %max3A_162, %max3A_163 : vector<128x128xf32>
        %min3A_165 = vector.broadcast %broadcast_in_dim3A_62 : vector<128x1xf32> to vector<128x128xf32>
        %min3A_166 = vector.broadcast %get3A_152 : vector<1x128xf32> to vector<128x128xf32>
        %min3A_167 = arith.minimumf %min3A_165, %min3A_166 : vector<128x128xf32>
        %min3A_168 = vector.broadcast %broadcast_in_dim3A_71 : vector<128x1xf32> to vector<128x128xf32>
        %min3A_169 = vector.broadcast %get3A_155 : vector<1x128xf32> to vector<128x128xf32>
        %min3A_170 = arith.minimumf %min3A_168, %min3A_169 : vector<128x128xf32>
        %sub3A_171 = arith.subf %min3A_167, %max3A_161 : vector<128x128xf32>
        %max3A_172 = arith.constant 0.000000e+00 : f32
        %max3A_173 = vector.broadcast %max3A_172 : f32 to vector<128x128xf32>
        %max3A_174 = arith.maximumf %sub3A_171, %max3A_173 : vector<128x128xf32>
        %sub3A_175 = arith.subf %min3A_170, %max3A_164 : vector<128x128xf32>
        %max3A_176 = arith.constant 0.000000e+00 : f32
        %max3A_177 = vector.broadcast %max3A_176 : f32 to vector<128x128xf32>
        %max3A_178 = arith.maximumf %sub3A_175, %max3A_177 : vector<128x128xf32>
        %mul3A_179 = arith.mulf %max3A_174, %max3A_178 : vector<128x128xf32>
        %add3A_180 = vector.broadcast %broadcast_in_dim3A_80 : vector<128x1xf32> to vector<128x128xf32>
        %add3A_181 = vector.broadcast %get3A_158 : vector<1x128xf32> to vector<128x128xf32>
        %add3A_182 = arith.addf %add3A_180, %add3A_181 : vector<128x128xf32>
        %sub3A_183 = arith.subf %add3A_182, %mul3A_179 : vector<128x128xf32>
        %div3A_184 = arith.divf %mul3A_179, %sub3A_183 : vector<128x128xf32>
        %gt3A_185 = arith.constant 5.000000e-01 : f32
        %gt3A_186 = vector.broadcast %gt3A_185 : f32 to vector<128x128xf32>
        %gt3A_187 = arith.cmpf ogt, %div3A_184, %gt3A_186 : vector<128x128xf32>
        %gt3A_188 = arith.constant 5.000000e-01 : f32
        %gt3A_189 = vector.broadcast %gt3A_188 : f32 to vector<128x1xf32>
        %gt3A_190 = arith.cmpf ogt, %broadcast_in_dim3A_131, %gt3A_189 : vector<128x1xf32>
        %and3A_191 = vector.broadcast %gt3A_190 : vector<128x1xi1> to vector<128x128xi1>
        %and3A_192 = arith.andi %gt3A_187, %and3A_191 : vector<128x128xi1>
        %jit3A_193 = arith.constant 1 : i32
        %jit3A_194 = arith.constant 0 : i32
        %broadcast_in_dim3A_195 = vector.broadcast %jit3A_193 : i32 to vector<128x128xi32>
        %broadcast_in_dim3A_196 = vector.broadcast %jit3A_194 : i32 to vector<128x128xi32>
        %select_n3A_197 = arith.select %and3A_192, %broadcast_in_dim3A_195, %broadcast_in_dim3A_196 : vector<128x128xi1>, vector<128x128xi32>
        %reduce_max3A = arith.constant dense<-2147483648> : vector<128xi32>
        %reduce_max3A_198 = vector.multi_reduction <maxsi>, %select_n3A_197, %reduce_max3A [0] : vector<128x128xi32> to vector<128xi32>
        %broadcast_in_dim3A_199 = vector.shape_cast %reduce_max3A_198 : vector<128xi32> to vector<1x128xi32>
        %get3A_200 = arith.index_cast %while3A_143 : i32 to index
        %get3A_201 = arith.constant 0 : index
        %get3A_202 = vector.load %arg4[%get3A_200, %get3A_201] : memref<157x128xi32, #tpu.memory_space<vmem>>, vector<1x128xi32>
        %sub3A_203 = arith.constant 1 : i32
        %sub3A_204 = vector.broadcast %sub3A_203 : i32 to vector<1x128xi32>
        %sub3A_205 = arith.subi %sub3A_204, %broadcast_in_dim3A_199 : vector<1x128xi32>
        %mul3A_206 = arith.muli %get3A_202, %sub3A_205 : vector<1x128xi32>
        %swap3A_207 = arith.index_cast %while3A_143 : i32 to index
        %swap3A_208 = arith.constant 0 : index
        %swap3A_209 = vector.load %arg4[%swap3A_207, %swap3A_208] : memref<157x128xi32, #tpu.memory_space<vmem>>, vector<1x128xi32>
        tpu.vector_store %arg4[%swap3A_207, %swap3A_208], %mul3A_206 {strides = array<i32>} : memref<157x128xi32, #tpu.memory_space<vmem>>, vector<1x128xi32>,
      }
    }
    %scan3A_23 = arith.constant 157 : i32
    return
  }
}

</mosaic_0001>

<sc_bundles>
// kernel: gather_offload_async_start.1
scs
__scs_entry_jumppad:
0x0: {  	(pc) =	sbr.rel $0x88, $3  }
0x1: {  	(tag) =	ssettag $0x0;
	lr =	simm.s32 $0x1  }
0x2: {  	[smem:$0x3F9D] =	sst lr;
	_ =	strace $0xD0000000  }
0x3: {  	_ = 	snop  }
0x4: {  	_ = 	snop  }
0x5: {  	_ = 	snop  }
0x6: {  	_ = 	snop  }
0x7: {  	_ = 	snop  }
__scs_overlays_trampoline_lowered:
0x8: {  	[smem:$0x3FAC] =	sst s0  }
0x9: {  	[smem:$0x3FAD] =	sst s1  }
0xa: {  	[smem:$0x3FAE] =	sst s2  }
0xb: {  	[smem:$0x3FAF] =	sst s3  }
0xc: {  	[smem:$0x3FB0] =	sst s4  }
0xd: {  	[smem:$0x3FB1] =	sst s5  }
0xe: {  	[smem:$0x3FB2] =	sst s6  }
0xf: {  	[smem:$0x3FB3] =	sst s7  }
0x10: {  	[smem:$0x3FB4] =	sst s8  }
0x11: {  	[smem:$0x3FB5] =	sst s9;
	s0 =	simm.s32 @!p0 $0x0  }
0x12: {  	s1 =	sld [smem:$0x3F9B];
	s0 =	simm.s32 @p0 $0x1  }
0x13: {  	[smem:$0x3FB6] =	sst s0;
	s0 =	simm.s32 @!p1 $0x0  }
0x14: {  	s2 =	sld [smem:$0x3F9A];
	s0 =	simm.s32 @p1 $0x1  }
0x15: {  	[smem:$0x3FB7] =	sst s0;
	s0 =	simm.s32 @!p2 $0x0  }
0x16: {  	s3 =	sld [smem:$0x3FDB];
	s0 =	simm.s32 @p2 $0x1  }
0x17: {  	s4 =	simm.s32 $0x1BF5;
	[smem:$0x3FB9] =	sst s0  }
0x18: {  	s0 =	sld [smem:$0x3F9C];
	_ =	swait.ge [sflag:s4], $0x0  }
0x19: {  	s7 =	sld [smem:$0x3F9D]  }
0x1a: {  	s8 =	sadd.s32 $0xFFFFE003, lr  }
0x1b: {  	s9 =	sadd.s32 $0xFFFFFEF7, lr;
	s5 =	simm.s32 $0xFFFFFFFF;
	p2 =	slt.u32 s8, $0xFFFFF086  }
0x1c: {  	p1 =	slt.u32 s9, $0xF7A;
	s5 =	simm.s32 @!p2 $0x0  }
0x1d: {  	s5 =	simm.s32 @p1 $0x1;
	p0 =	seq.s32 s7, s2  }
0x1e: {  	s7 =	smul.u32 @!p0 $0xF7A, s2;
	p2 =	seq.s32 @!p0 s5, $0x0  }
0x1f: {  	s9 =	smul.u32 $0xF7A, s1;
	s8 =	simm.s32 @!p0 $0x1BF5;
	p2 =	por !p2, p0  }
0x20: {  	[sflag:s8] =	ssyncset.s32 @!p0 $0xFFFFF086;
	s6 =	sadd.s32 @!p0 s3, s7;
	s7 =	simm.s32 @!p0 $0x108  }
0x21: {  	s3 =	sadd.s32 s3, s9;
	s6 =	sadd.s32 @!p0 $0x88, s6;
	s7 =	simm.s32 @p2 $0x1082  }
0x22: {  	[simem:s7], [sflag:s8] =	dma.local @!p0 [hbm:s6], $0xF7A  }
0x23: {  	s9 =	sor.u32 $0xD0000000, s2;
	s6 =	simm.s32 $0x108;
	_ =	swait.ge @!p0 [sflag:s8], $0x0  }
0x24: {  	s3 =	sadd.s32 $0x88, s3;
	s6 =	simm.s32 @!p1 $0x1082;
	[sflag:s4] =	ssyncset.s32 $0xFFFFF086  }
0x25: {  	[simem:s6], [sflag:s4] =	dma.local [hbm:s3], $0xF7A  }
0x26: {  	[smem:$0x3F9D] =	sst s1;
	(tag) =	ssettag s2;
	_ =	strace s9  }
0x27: {  	s1 =	sld [smem:$0x3FAD]  }
0x28: {  	s2 =	sld [smem:$0x3FAE]  }
0x29: {  	s4 =	sld [smem:$0x3FB0]  }
0x2a: {  	p0 =	seq.s32 s5, $0x0;
	s5 =	sld [smem:$0x3FB1]  }
0x2b: {  	s6 =	sld [smem:$0x3FB2]  }
0x2c: {  	s7 =	sld [smem:$0x3FB3]  }
0x2d: {  	s3 =	simm.s32 $0x108;
	s8 =	sld [smem:$0x3FB4]  }
0x2e: {  	s3 =	simm.s32 @!p0 $0x1082;
	s9 =	sld [smem:$0x3FB5]  }
0x2f: {  	lr =	sadd.s32 s0, s3;
	s0 =	sld [smem:$0x3FAC]  }
0x30: {  	s3 =	sld [smem:$0x3FAF]  }
0x31: {  	[smem:$0x3FB8] =	sst s10  }
0x32: {  	s10 =	sld [smem:$0x3FB6];
	_ =	sdelay $0x3  }
0x33: {  	p0 =	seq.s32 s10, $0x1;
	s10 =	sld [smem:$0x3FB8];
	_ =	sdelay $0x3  }
0x34: {  	[smem:$0x3FB8] =	sst s10  }
0x35: {  	s10 =	sld [smem:$0x3FB7];
	_ =	sdelay $0x3  }
0x36: {  	p1 =	seq.s32 s10, $0x1;
	s10 =	sld [smem:$0x3FB8];
	_ =	sdelay $0x3  }
0x37: {  	[smem:$0x3FB8] =	sst s10  }
0x38: {  	s10 =	sld [smem:$0x3FB9]  }
0x39: {  	_ = 	snop;
	(pc) =	sbr.ind lr, $3  }
0x3a: {  	_ = 	snop  }
0x3b: {  	_ = 	snop  }
0x3c: {  	p2 =	seq.s32 s10, $0x1;
	s10 =	sld [smem:$0x3FB8]  }
0x3d: {  	_ =	shalt  }
0x3e: {  	_ =	shalt  }
0x3f: {  	_ =	shalt  }
0x40: {  	_ =	shalt  }
0x41: {  	_ =	shalt  }
0x42: {  	_ =	shalt  }
0x43: {  	_ =	shalt  }
0x44: {  	_ =	shalt  }
0x45: {  	_ =	shalt  }
0x46: {  	_ =	shalt  }
0x47: {  	_ =	shalt  }
0x48: {  	_ =	shalt  }
0x49: {  	_ =	shalt  }
0x4a: {  	_ =	shalt  }
0x4b: {  	_ =	shalt  }
0x4c: {  	_ =	shalt  }
0x4d: {  	_ =	shalt  }
0x4e: {  	_ =	shalt  }
0x4f: {  	_ =	shalt  }
0x50: {  	_ =	shalt  }
0x51: {  	_ =	shalt  }
0x52: {  	_ =	shalt  }
0x53: {  	_ =	shalt  }
0x54: {  	_ =	shalt  }
0x55: {  	_ =	shalt  }
0x56: {  	_ =	shalt  }
0x57: {  	_ =	shalt  }
0x58: {  	_ =	shalt  }
0x59: {  	_ =	shalt  }
0x5a: {  	_ =	shalt  }
0x5b: {  	_ =	shalt  }
0x5c: {  	_ =	shalt  }
0x5d: {  	_ =	shalt  }
0x5e: {  	_ =	shalt  }
0x5f: {  	_ =	shalt  }
0x60: {  	_ =	shalt  }
0x61: {  	_ =	shalt  }
0x62: {  	_ =	shalt  }
0x63: {  	_ =	shalt  }
0x64: {  	_ =	shalt  }
0x65: {  	_ =	shalt  }
0x66: {  	_ =	shalt  }
0x67: {  	_ =	shalt  }
0x68: {  	_ =	shalt  }
0x69: {  	_ =	shalt  }
0x6a: {  	_ =	shalt  }
0x6b: {  	_ =	shalt  }
0x6c: {  	_ =	shalt  }
0x6d: {  	_ =	shalt  }
0x6e: {  	_ =	shalt  }
0x6f: {  	_ =	shalt  }
0x70: {  	_ =	shalt  }
0x71: {  	_ =	shalt  }
0x72: {  	_ =	shalt  }
0x73: {  	_ =	shalt  }
0x74: {  	_ =	shalt  }
0x75: {  	_ =	shalt  }
0x76: {  	_ =	shalt  }
0x77: {  	_ =	shalt  }
0x78: {  	_ =	shalt  }
0x79: {  	_ =	shalt  }
0x7a: {  	_ =	shalt  }
0x7b: {  	_ =	shalt  }
0x7c: {  	_ =	shalt  }
0x7d: {  	_ =	shalt  }
0x7e: {  	_ =	shalt  }
0x7f: {  	_ =	shalt  }
0x80: {  	_ =	shalt  }
0x81: {  	_ =	shalt  }
0x82: {  	_ =	shalt  }
0x83: {  	_ =	shalt  }
0x84: {  	_ =	shalt  }
0x85: {  	_ =	shalt  }
0x86: {  	_ =	shalt  }
0x87: {  	_ =	shalt  }
.Lfunc_end0:
.L_simem_size_0:
called_computation.1_lowered:
.L_overlay_start_0:
0x88: {  	s0 =	sld [smem:$0x3FD9]  }
0x89: {  	s1 =	sld [smem:$0x3FFE];
	_ =	sdelay $0x3  }
0x8a: {  	s0 =	sadd.s32 s1, s0  }
0x8b: {  	[smem:$0x3FC4] =	sst s0  }
0x8c: {  	_ = 	snop  }
0x8d: {  	(tm) =	ssettm $0x1  }
0x8e: {  	s15 =	sld [smem:$0x3FFB];
	_ =	sdelay $0x3  }
0x8f: {  	_ =	strace s15  }
0x90: {  	s0 =	sld [smem:$0x3FFC];
	_ =	sdelay $0x3  }
0x91: {  	_ =	strace s0  }
0x92: {  	s0 =	sld [smem:$0x3FFD];
	_ =	sdelay $0x3  }
0x93: {  	_ =	strace s0  }
0x94: {  	_ =	strace $0x8FFFFFFF  }
0x95: {  	s16 =	sld [smem:$0x3FDB];
	_ =	sdelay $0x1  }
0x96: {  	s17 =	simm.s32 $_scs_section_size  }
0x97: {  	s2 =	simm.s32 $_size__tile_overlayer_lowered;
	s3 =	simm.s32 $_tile_overlayer_lowered  }
0x98: {  	s20 =	simm.s32 $0x1BFF;
	s19 =	sshll.u32 s3, $0x1;
	s0 =	sadd.s32 s17, s16  }
0x99: {  	s4 =	simm.s32 $0x0;
	s18 =	sshll.u32 s2, $0x1;
	s2 =	sadd.s32 s19, s0  }
0x9a: {  	[timem:s4], [sflag:s20] =	dma.local [hbm:s2], s18  }
0x9b: {  	_ =	swait.ge [sflag:s20], s18  }
0x9c: {  	s1 =	ssub.s32 $0x0, s18;
	[sflag:s20] =	ssyncset.done $0x0  }
0x9d: {  	[sflag:s20] =	ssyncadd.s32 s1;
	_ =	sdelay $0x1  }
0x9e: {  	s21 =	simm.s32 $0x1B8B  }
0x9f: {  	_ =	swait.ge [sflag:s21], $0x1  }
0xa0: {  	[sflag:s21] =	ssyncset.done $0x0  }
0xa1: {  	s23 =	simm.s32 $0x1B8E;
	s22 =	sld [smem:$0x3FFE];
	[sflag:s21] =	ssyncadd.s32 $0xFFFFFFFF  }
0xa2: {  	s24 =	simm.s32 $execute0_lowered;
	[smem:$0x3FD2] =	sst s23  }
0xa3: {  	s2 =	sshll.u32 s24, $0x1;
	_ =	strace $0x8000004C;
	[dreg:$0x1] =	wrdreg $0xFFFFFFFF  }
0xa4: {  	s25 =	simm.s32 $_size_execute0_lowered;
	s0 =	sadd.s32 s0, s2;
	[dreg:$0x0] =	wrdreg $0x0  }
0xa5: {  	s2 =	sshll.u32 s25, $0x1;
	[dreg:$0x2] =	wrdreg s0  }
0xa6: {  	[dreg:$0x3] =	wrdreg s2  }
0xa7: {  	[dreg:$0x4] =	wrdreg $0xC0  }
0xa8: {  	_ =	task [dreg:s4], $0x5FFFF  }
0xa9: {  	[dreg:$0x1] =	wrdreg $0xFFFFFFFF  }
0xaa: {  	[dreg:$0x0] =	wrdreg $0x60  }
0xab: {  	[dreg:$0x2] =	wrdreg s22  }
0xac: {  	[dreg:$0x3] =	wrdreg $0xA  }
0xad: {  	_ =	task.clear_ibuf [dreg:s4], $0x4FFFF;
	_ =	strace $0x9000004C  }
0xae: {  	s26 =	simm.s32 $0xA;
	_ =	strace $0x8000004E  }
0xaf: {  	_ =	swait.ge [sflag:s26], $0x1  }
0xb0: {  	[sflag:s26] =	ssyncadd.s32 $0xFFFFFFFF  }
0xb1: {  	_ =	strace $0x9000004E  }
0xb2: {  	_ =	sfence  }
0xb3: {  	s28 =	sld [smem:$0x0];
	_ =	sdelay $0x1  }
0xb4: {  	s29 =	srdreg.scid  }
0xb5: {  	s30 =	sshll.u32 s29, $0xD;
	s31 =	sshrl.u32 s29, $0x2  }
0xb6: {  	s1 =	sand.u32 $0x1, s29;
	s2 =	sand.u32 $0x4000, s30;
	s0 =	sadd.s32 s31, s28  }
0xb7: {  	s1 =	sor.u32 s2, s1;
	s0 =	sshll.u32 s0, $0x11  }
0xb8: {  	s0 =	sor.u32 s0, s1  }
0xb9: {  	s0 =	sadd.s32 $0x8F2B, s0  }
0xba: {  	[sflag:s0] =	ssyncadd.remote.s32 $0x1  }
0xbb: {  	_ =	sfence.sel $0xFFFF  }
0xbc: {  	[dreg:$0x0] =	wrdreg $0xFFFFFFFF;
	(pc) =	sbr.abs _section_cstart, $3  }
0xbd: {  	[dreg:$0x1] =	wrdreg $0xFFFFFFFF  }
0xbe: {  	_ =	task.clear_ibuf [dreg:s4], $0x2FFFF;
	_ =	strace $0x9FFFFFFF  }
0xbf: {  	(tm) =	ssettm $0x7FFFFFFF  }
tec
execute0_lowered:
.L_overlay_start_1:
0x0: {  	(tag) =	ssettag $0x1  }
0x1: {  	s0 =	stileid.u32;
	s3 =	simm.s32 $0x600;
	s6 =	rddreg [dreg:$0x0]  }
0x2: {  	s7 =	simm.s32 $0x1;
	s8 =	simm.s32 $0x3;
	s10 =	simm.s32 $0x4  }
0x3: {  	s11 =	simm.s32 $0x0;
	s12 =	simm.s32 $0xFFFFF800;
	s1 =	smin.u32 s0, $0x8  }
0x4: {  	s2 =	sshll.u32 s0, $0xA;
	p0 =	slt.u32 s0, $0x8;
	s1 =	sshll.u32 s1, $0x9  }
0x5: {  	s13 =	simm.s32 $0xFFFFFE00;
	s3 =	simm.s32 @!p0 $0x400;
	s2 =	sadd.s32 s2, s1  }
0x6: {  	s14 =	simm.s32 $0xFFFFFFFF;
	s18 =	simm.s32 $0x0;
	s3 =	sadd.s32 s3, s2  }
0x7: {  	s15 =	simm.s32 $0x0;
	s17 =	simm.s32 $0x0;
	s3 =	smin.u32 s3, $0x4E20  }
0x8: {  	s4 =	sadd.s32 $0x4E200, s6;
	s1 =	rddreg [dreg:$0x1];
	s9 =	ssub.s32 s3, s2  }
.Ltmp0:
0x9: {  	_ =	strace $0x8000004D;
	p0 =	sgt.s32 s9, $0x0;
	(pc) =	sbr.rel .LBB2_1-.Ltmp0, $4  }
0xa: {  	[sflag:s7] =	ssyncpa.u1 $0x0;
	s7 =	simm.s32 $0x2;
	s9 =	simm.s32 @!p0 $0x0  }
0xb: {  	s5 =	sadd.s32 $0x4E600, s6;
	[sflag:s7] =	ssyncpa.u1 $0x0;
	s9 =	sadd.s32 $0x1FF, s9  }
0xc: {  	s6 =	sadd.s32 $0xEC800, s6;
	[sflag:s8] =	ssyncpa.u1 $0x0;
	s9 =	sshrl.u32 s9, $0x9  }
0xd: {  	v0 =	vlaneseq.u32;
	vm0 =	vmmov $0xffff;
	s16 =	smov.u32 s2;
	[sflag:s10] =	ssyncpa.u1 $0x0;
	s10 =	sadd.s32 $0x2, s9  }
.LBB2_7:
0xe: {  	p0 =	slt.u32 s17, $0x3  }
0xf: {  	s18 =	simm.s32 @!p0 $0x4  }
0x10: {  	_ =	swait.ge @!p0 [sflag:s18], $0x80  }
0x11: {  	s19 =	sadd.s32 $0x200, s16;
	[sflag:s18] =	ssyncset.done @!p0 $0x0  }
0x12: {  	s20 =	smov.u32 s2;
	[sflag:s18] =	ssyncadd.s32 @!p0 $0xFFFFFF80;
	p0 =	slt.s32 s19, s3  }
0x13: {  	s20 =	smov.u32 @p0 s19;
	p0 =	sne.s32 s17, s10  }
.Ltmp1:
0x14: {  	_ = 	snop;
	(pc) =	sbr.rel @!p0 .LBB2_8-.Ltmp1, $4  }
0x15: {  	_ = 	snop  }
0x16: {  	s31 =	sadd.s32 $0x1, s17;
	s12 =	sadd.s32 $0x800, s12  }
0x17: {  	s13 =	sadd.s32 $0x200, s13;
	s14 =	sadd.s32 $0x1, s14;
	s18 =	smov.u32 s15  }
0x18: {  	s15 =	smov.u32 s16;
	s17 =	smov.u32 s31;
	s16 =	smov.u32 s20  }
.LBB2_1:
0x19: {  	p0 =	sge.u32 s17, s9  }
0x1a: {  	s19 =	smulhi.u32 @!p0 $0xAAAAAAAB, s17;
	_ =	sdelay $0x1  }
0x1b: {  	s19 =	sshrl.u32 @!p0 s19, $0x1  }
0x1c: {  	s19 =	smul.u32 @!p0 $0x3, s19;
	_ =	sdelay $0x1  }
0x1d: {  	s31 =	sadd.s32 $0xFFFFFFFF, s17;
	s20 =	sshrl.u32 @!p0 s16, $0x3;
	s19 =	ssub.s32 @!p0 s17, s19  }
0x1e: {  	s21 =	sand.u32 @!p0 $0x7, s16;
	s20 =	sadd.s32 @!p0 s5, s20;
	s19 =	sshll.u32 @!p0 s19, $0x9  }
0x1f: {  	[tilespmem:s19], [sflag:$0x2] =	stream.linear.gather @!p0 [hbm4b:s20+s21], $0x200, $0x38;
	[tilespmem:$0xB00] =	vst v63  }
0x20: {  	p0 =	sge.u32 s31, s9  }
.Ltmp2:
0x21: {  	_ = 	snop;
	(pc) =	sbr.rel @p0 .LBB2_5-.Ltmp2, $1  }
0x22: {  	_ =	sdelay $0x3  }
0x23: {  	s19 =	smulhi.u32 $0xAAAAAAAB, s14;
	_ =	sdelay $0x1  }
0x24: {  	s19 =	sshrl.u32 s19, $0x1  }
0x25: {  	s19 =	smul.u32 $0xFFFFE800, s19;
	_ =	sdelay $0x1  }
0x26: {  	_ =	swait.ge [sflag:s7], $0x200;
	s19 =	sshra.s32 s19, $0x2  }
0x27: {  	[sflag:s7] =	ssyncset.done $0x0;
	s20 =	sadd.s32 s19, s13  }
0x28: {  	[sflag:s7] =	ssyncadd.s32 $0xFFFFFE00;
	(ifvalue) =	ssetifvalue $0x7FFFFFFF;
	v1 =	vld.msk [tilespmem:s20+$0x0 ss:$0x1], $0xffff  }
0x29: {  	s21 =	sadd.s32 $0x10, s20  }
0x2a: {  	v2 =	vld.msk [tilespmem:s21+$0x0 ss:$0x1], $0xffff;
	_ =	sdelay $0x1  }
0x2b: {  	s19 =	ssub.s32 $0x4E20, s15  }
0x2c: {  	p0 =	slt.s32 s19, $0x200;
	vm1 =	vgt.s32 v1, $0x0  }
0x2d: {  	s19 =	simm.s32 @!p0 $0x200;
	v1 =	vnsel vm1, $0x0, v1  }
0x2e: {  	p0 =	sgt.s32 s19, $0x0;
	s22 =	smov.u32 s19;
	vm1 =	vgt.s32 v2, $0x0;
	v1 =	vmin.u32 v1, $0x4E1F  }
0x2f: {  	s22 =	simm.s32 @!p0 $0x0;
	v2 =	vnsel vm1, $0x0, v2;
	v4 =	vshll.u32 v1, $0x2  }
0x30: {  	s22 =	smin.u32 s22, $0x10;
	v3 =	vshrl.u32 v1, $0x7;
	v1 =	vand.u32 $0x7E00, v1;
	v4 =	vand.u32 $0x1FC, v4  }
0x31: {  	v5 =	vmin.u32 v2, $0x4E1F;
	v2 =	vmov s22;
	v1 =	vor.u32 v1, v4  }
0x32: {  	vm1 =	vgt.u32 v2, v0;
	v1 =	vshrl.u32 v1, $0x2  }
0x33: {  	s30 =	sshrl.u32 s12, $0x2;
	s23 =	sadd.s32 $0xFFFFFFF0, s19;
	v1 =	vnsel vm1, $0x7FFFFFFF, v1  }
0x34: {  	s19 =	sadd.s32 $0x10, s21;
	p0 =	sgt.s32 s23, $0x0;
	s25 =	smov.u32 s23;
	v3 =	vand.u32 $0x3, v3  }
0x35: {  	s31 =	sand.u32 $0x200, s30;
	s25 =	simm.s32 @!p0 $0x0;
	v2 =	vld.msk [tilespmem:s19+$0x0 ss:$0x1], $0xffff;
	v4 =	vshrl.u32 v5, $0x7;
	[tilespmem:s20+$0x0] =	vst v3;
	v3 =	vshll.u32 v5, $0x2  }
0x36: {  	s24 =	simm.s32 $0x30;
	s25 =	smin.u32 s25, $0x10;
	s22 =	sadd.s32 $0x600, s31;
	v5 =	vand.u32 $0x7E00, v5;
	v4 =	vand.u32 $0x3, v4;
	v6 =	vand.u32 $0x1FC, v3  }
0x37: {  	s20 =	sadd.s32 $0x10, s19;
	v3 =	vmov s25;
	[tilespmem:s21+$0x0] =	vst v4;
	v4 =	vor.u32 v5, v6;
	(ifvalue) =	ssetifvalue $0x7FFFFFFF;
	s21 =	sadd.s32 $0x10, s22  }
.LBB2_3:
0x38: {  	[tilespmem:s22], [sflag:$0x3] =	stream.indirect_vreg.gather [hbm4b:s4+s11], $0x1, v1, vm0, $0x4038;
	[tilespmem:$0xB00] =	vst v63  }
0x39: {  	s24 =	sadd.s32 $0x10, s24  }
0x3a: {  	vm1 =	vgt.s32 v2, $0x0;
	vm2 =	vgt.u32 v3, v0;
	v3 =	vshrl.u32 v4, $0x2;
	v1 =	vmovc v2;
	v2 =	vld.msk [tilespmem:s20+$0x0 ss:$0x1], $0xffff;
	p0 =	slt.u32 s24, $0x1F0  }
.Ltmp3:
0x3b: {  	s23 =	sadd.s32 $0xFFFFFFF0, s23;
	v4 =	vnsel vm1, $0x0, v1;
	v1 =	vnsel vm2, $0x7FFFFFFF, v3;
	(pc) =	sbr.rel @p0 .LBB2_3-.Ltmp3, $4  }
0x3c: {  	s25 =	smov.u32 s19;
	p1 =	sgt.s32 s23, $0x0;
	s26 =	smov.u32 s23;
	v3 =	vmin.u32 v4, $0x4E1F  }
0x3d: {  	s19 =	smov.u32 s20;
	s22 =	smov.u32 s21;
	s26 =	simm.s32 @!p1 $0x0;
	v4 =	vshrl.u32 v3, $0x7;
	v5 =	vshll.u32 v3, $0x2  }
0x3e: {  	s26 =	smin.u32 s26, $0x10;
	v6 =	vand.u32 $0x3, v4;
	v4 =	vand.u32 $0x7E00, v3;
	v5 =	vand.u32 $0x1FC, v5  }
0x3f: {  	s20 =	sadd.s32 $0x10, s20;
	s21 =	sadd.s32 $0x10, s21;
	v3 =	vmov s26;
	v4 =	vor.u32 v4, v5;
	[tilespmem:s25+$0x0] =	vst v6;
	(ifvalue) =	ssetifvalue $0x7FFFFFFF  }
0x40: {  	v5 =	vld.msk [tilespmem:s20+$0x0 ss:$0x1], $0xffff;
	_ =	sdelay $0x1  }
0x41: {  	s23 =	sadd.s32 $0xFFFFFFF0, s23;
	vm1 =	vgt.s32 v2, $0x0  }
0x42: {  	p0 =	sgt.s32 s23, $0x0;
	s24 =	smov.u32 s23;
	v2 =	vnsel vm1, $0x0, v2;
	vm1 =	vgt.u32 v3, v0;
	v3 =	vshrl.u32 v4, $0x2  }
0x43: {  	s24 =	simm.s32 @!p0 $0x0;
	v2 =	vmin.u32 v2, $0x4E1F;
	v3 =	vnsel vm1, $0x7FFFFFFF, v3  }
0x44: {  	s24 =	smin.u32 s24, $0x10;
	v60 =	vshll.u32 v2, $0x2;
	v7 =	vand.u32 $0x7E00, v2;
	vm1 =	vgt.s32 v5, $0x0  }
0x45: {  	s23 =	sadd.s32 $0xFFFFFFF0, s23;
	v2 =	vshrl.u32 v2, $0x7;
	v6 =	vmov s24;
	v5 =	vnsel vm1, $0x0, v5  }
0x46: {  	p0 =	sgt.s32 s23, $0x0;
	v4 =	vand.u32 $0x1FC, v60;
	v2 =	vand.u32 $0x3, v2;
	v5 =	vmin.u32 v5, $0x4E1F  }
0x47: {  	s23 =	simm.s32 @!p0 $0x0;
	v4 =	vor.u32 v7, v4;
	vm1 =	vgt.u32 v6, v0;
	v61 =	vshll.u32 v5, $0x2  }
0x48: {  	s23 =	smin.u32 s23, $0x10;
	v4 =	vshrl.u32 v4, $0x2;
	v62 =	vand.u32 $0x7E00, v5;
	v6 =	vand.u32 $0x1FC, v61  }
0x49: {  	v63 =	vmov s23;
	v4 =	vnsel vm1, $0x7FFFFFFF, v4;
	v6 =	vor.u32 v62, v6  }
0x4a: {  	[tilespmem:s22], [sflag:$0x3] =	stream.indirect_vreg.gather [hbm4b:s4+s11], $0x1, v1, vm0, $0x4038;
	[tilespmem:s19+$0x0] =	vst v2;
	vm1 =	vgt.u32 v63, v0;
	v2 =	vshrl.u32 v6, $0x2  }
0x4b: {  	(ifvalue) =	ssetifvalue $0x7FFFFFFF;
	v1 =	vshrl.u32 v5, $0x7;
	v2 =	vnsel vm1, $0x7FFFFFFF, v2  }
0x4c: {  	[tilespmem:s21], [sflag:$0x3] =	stream.indirect_vreg.gather [hbm4b:s4+s11], $0x1, v3, vm0, $0x4038;
	v1 =	vand.u32 $0x3, v1;
	[tilespmem:$0xB00] =	vst v63  }
0x4d: {  	s31 =	sadd.s32 $0x10, s21;
	[tilespmem:s20+$0x0] =	vst v1;
	(ifvalue) =	ssetifvalue $0x7FFFFFFF  }
0x4e: {  	[tilespmem:s31], [sflag:$0x3] =	stream.indirect_vreg.gather [hbm4b:s4+s11], $0x1, v4, vm0, $0x4038;
	[tilespmem:$0xB00] =	vst v63  }
0x4f: {  	s19 =	sadd.s32 $0x10, s31;
	(ifvalue) =	ssetifvalue $0x7FFFFFFF  }
0x50: {  	[tilespmem:s19], [sflag:$0x3] =	stream.indirect_vreg.gather [hbm4b:s4+s11], $0x1, v2, vm0, $0x4038;
	[tilespmem:$0xB00] =	vst v63  }
.LBB2_5:
0x51: {  	p0 =	slt.u32 s17, $0x2  }
0x52: {  	p1 =	sge.u32 @!p0 s17, s10  }
0x53: {  	p0 =	por p0, p1  }
.Ltmp4:
0x54: {  	_ = 	snop;
	(pc) =	sbr.rel @p0 .LBB2_7-.Ltmp4, $1  }
0x55: {  	_ =	sdelay $0x3  }
0x56: {  	s19 =	sadd.s32 $0xFFFFFFFE, s17  }
0x57: {  	s20 =	smulhi.u32 $0xAAAAAAAB, s19  }
0x58: {  	_ =	swait.ge [sflag:s8], $0x200  }
0x59: {  	s21 =	sand.u32 $0x1, s17;
	[sflag:s8] =	ssyncset.done $0x0;
	s20 =	sshrl.u32 s20, $0x1  }
0x5a: {  	s28 =	sshll.u32 s21, $0x9;
	[sflag:s8] =	ssyncadd.s32 $0xFFFFFE00;
	s20 =	smul.u32 $0x3, s20  }
0x5b: {  	v1 =	vld [tilespmem:s28+$0x600]  }
0x5c: {  	v3 =	vld [tilespmem:s28+$0x680];
	s20 =	ssub.s32 s19, s20  }
0x5d: {  	v6 =	vld [tilespmem:s28+$0x700];
	s20 =	sshll.u32 s20, $0x9  }
0x5e: {  	v2 =	vld [tilespmem:s20+$0x0]  }
0x5f: {  	v4 =	vld [tilespmem:s20+$0x80]  }
0x60: {  	v5 =	vld [tilespmem:s20+$0x100]  }
0x61: {  	v7 =	vld [tilespmem:s20+$0x180];
	_ =	sdelay $0x1  }
0x62: {  	v8 =	vld [tilespmem:s28+$0x780]  }
0x63: {  	v2 =	vshll.u32 v2, $0x3;
	v4 =	vshll.u32 v4, $0x3  }
0x64: {  	v1 =	vshrl.u32 v1, v2;
	v2 =	vshrl.u32 v3, v4;
	v3 =	vshll.u32 v5, $0x3  }
0x65: {  	v21 =	vshll.u32 v7, $0x3;
	v2 =	vshll.u32 v2, $0x8;
	v3 =	vshrl.u32 v6, v3  }
0x66: {  	v1 =	vand.u32 $0xFF, v1;
	v2 =	vand.u32 $0xFF00, v2;
	v3 =	vshll.u32 v3, $0x10  }
0x67: {  	v1 =	vor.u32 v1, v2;
	v2 =	vand.u32 $0xFF0000, v3;
	v3 =	vshrl.u32 v8, v21  }
0x68: {  	v1 =	vor.u32 v2, v1;
	v2 =	vshll.u32 v3, $0x18  }
0x69: {  	s21 =	sshll.u32 s21, $0x7;
	v1 =	vor.u32 v2, v1  }
0x6a: {  	[tilespmem:s21+$0xA00] =	vst v1  }
0x6b: {  	v1 =	vld [tilespmem:s28+$0x610]  }
0x6c: {  	v2 =	vld [tilespmem:s20+$0x10]  }
0x6d: {  	v3 =	vld [tilespmem:s28+$0x690]  }
0x6e: {  	v22 =	vld [tilespmem:s20+$0x90]  }
0x6f: {  	v23 =	vld [tilespmem:s20+$0x110]  }
0x70: {  	v24 =	vld [tilespmem:s28+$0x710]  }
0x71: {  	v25 =	vld [tilespmem:s20+$0x190];
	_ =	sdelay $0x1  }
0x72: {  	v26 =	vld [tilespmem:s28+$0x790]  }
0x73: {  	v2 =	vshll.u32 v2, $0x3;
	v4 =	vshll.u32 v22, $0x3  }
0x74: {  	v1 =	vshrl.u32 v1, v2;
	v2 =	vshrl.u32 v3, v4;
	v3 =	vshll.u32 v23, $0x3  }
0x75: {  	v27 =	vshll.u32 v25, $0x3;
	v2 =	vshll.u32 v2, $0x8;
	v3 =	vshrl.u32 v24, v3  }
0x76: {  	v1 =	vand.u32 $0xFF, v1;
	v2 =	vand.u32 $0xFF00, v2;
	v3 =	vshll.u32 v3, $0x10  }
0x77: {  	v1 =	vor.u32 v1, v2;
	v2 =	vand.u32 $0xFF0000, v3;
	v3 =	vshrl.u32 v26, v27  }
0x78: {  	v1 =	vor.u32 v2, v1;
	v2 =	vshll.u32 v3, $0x18  }
0x79: {  	v1 =	vor.u32 v2, v1  }
0x7a: {  	[tilespmem:s21+$0xA10] =	vst v1  }
0x7b: {  	v1 =	vld [tilespmem:s28+$0x620]  }
0x7c: {  	v2 =	vld [tilespmem:s20+$0x20]  }
0x7d: {  	v3 =	vld [tilespmem:s28+$0x6A0]  }
0x7e: {  	v28 =	vld [tilespmem:s20+$0xA0]  }
0x7f: {  	v29 =	vld [tilespmem:s20+$0x120]  }
0x80: {  	v30 =	vld [tilespmem:s28+$0x720]  }
0x81: {  	v31 =	vld [tilespmem:s20+$0x1A0];
	_ =	sdelay $0x1  }
0x82: {  	v32 =	vld [tilespmem:s28+$0x7A0]  }
0x83: {  	v2 =	vshll.u32 v2, $0x3;
	v4 =	vshll.u32 v28, $0x3  }
0x84: {  	v1 =	vshrl.u32 v1, v2;
	v2 =	vshrl.u32 v3, v4;
	v3 =	vshll.u32 v29, $0x3  }
0x85: {  	v33 =	vshll.u32 v31, $0x3;
	v2 =	vshll.u32 v2, $0x8;
	v3 =	vshrl.u32 v30, v3  }
0x86: {  	v1 =	vand.u32 $0xFF, v1;
	v2 =	vand.u32 $0xFF00, v2;
	v3 =	vshll.u32 v3, $0x10  }
0x87: {  	v1 =	vor.u32 v1, v2;
	v2 =	vand.u32 $0xFF0000, v3;
	v3 =	vshrl.u32 v32, v33  }
0x88: {  	v1 =	vor.u32 v2, v1;
	v2 =	vshll.u32 v3, $0x18  }
0x89: {  	v1 =	vor.u32 v2, v1  }
0x8a: {  	[tilespmem:s21+$0xA20] =	vst v1  }
0x8b: {  	v1 =	vld [tilespmem:s28+$0x630]  }
0x8c: {  	v2 =	vld [tilespmem:s20+$0x30]  }
0x8d: {  	v3 =	vld [tilespmem:s28+$0x6B0]  }
0x8e: {  	v34 =	vld [tilespmem:s20+$0xB0]  }
0x8f: {  	v35 =	vld [tilespmem:s20+$0x130]  }
0x90: {  	v36 =	vld [tilespmem:s28+$0x730]  }
0x91: {  	v37 =	vld [tilespmem:s20+$0x1B0];
	_ =	sdelay $0x1  }
0x92: {  	v38 =	vld [tilespmem:s28+$0x7B0]  }
0x93: {  	v2 =	vshll.u32 v2, $0x3;
	v4 =	vshll.u32 v34, $0x3  }
0x94: {  	v1 =	vshrl.u32 v1, v2;
	v2 =	vshrl.u32 v3, v4;
	v3 =	vshll.u32 v35, $0x3  }
0x95: {  	v39 =	vshll.u32 v37, $0x3;
	v2 =	vshll.u32 v2, $0x8;
	v3 =	vshrl.u32 v36, v3  }
0x96: {  	v1 =	vand.u32 $0xFF, v1;
	v2 =	vand.u32 $0xFF00, v2;
	v3 =	vshll.u32 v3, $0x10  }
0x97: {  	v1 =	vor.u32 v1, v2;
	v2 =	vand.u32 $0xFF0000, v3;
	v3 =	vshrl.u32 v38, v39  }
0x98: {  	v1 =	vor.u32 v2, v1;
	v2 =	vshll.u32 v3, $0x18  }
0x99: {  	v1 =	vor.u32 v2, v1  }
0x9a: {  	[tilespmem:s21+$0xA30] =	vst v1  }
0x9b: {  	v1 =	vld [tilespmem:s28+$0x640]  }
0x9c: {  	v2 =	vld [tilespmem:s20+$0x40]  }
0x9d: {  	v3 =	vld [tilespmem:s28+$0x6C0]  }
0x9e: {  	v40 =	vld [tilespmem:s20+$0xC0]  }
0x9f: {  	v41 =	vld [tilespmem:s20+$0x140]  }
0xa0: {  	v42 =	vld [tilespmem:s28+$0x740]  }
0xa1: {  	v43 =	vld [tilespmem:s20+$0x1C0];
	_ =	sdelay $0x1  }
0xa2: {  	v44 =	vld [tilespmem:s28+$0x7C0]  }
0xa3: {  	v2 =	vshll.u32 v2, $0x3;
	v4 =	vshll.u32 v40, $0x3  }
0xa4: {  	v1 =	vshrl.u32 v1, v2;
	v2 =	vshrl.u32 v3, v4;
	v3 =	vshll.u32 v41, $0x3  }
0xa5: {  	v45 =	vshll.u32 v43, $0x3;
	v2 =	vshll.u32 v2, $0x8;
	v3 =	vshrl.u32 v42, v3  }
0xa6: {  	v1 =	vand.u32 $0xFF, v1;
	v2 =	vand.u32 $0xFF00, v2;
	v3 =	vshll.u32 v3, $0x10  }
0xa7: {  	v1 =	vor.u32 v1, v2;
	v2 =	vand.u32 $0xFF0000, v3;
	v3 =	vshrl.u32 v44, v45  }
0xa8: {  	v1 =	vor.u32 v2, v1;
	v2 =	vshll.u32 v3, $0x18  }
0xa9: {  	v1 =	vor.u32 v2, v1  }
0xaa: {  	[tilespmem:s21+$0xA40] =	vst v1  }
0xab: {  	v1 =	vld [tilespmem:s28+$0x650]  }
0xac: {  	v2 =	vld [tilespmem:s20+$0x50]  }
0xad: {  	v3 =	vld [tilespmem:s28+$0x6D0]  }
0xae: {  	v46 =	vld [tilespmem:s20+$0xD0]  }
0xaf: {  	v47 =	vld [tilespmem:s20+$0x150]  }
0xb0: {  	v48 =	vld [tilespmem:s28+$0x750]  }
0xb1: {  	v49 =	vld [tilespmem:s20+$0x1D0];
	_ =	sdelay $0x1  }
0xb2: {  	v50 =	vld [tilespmem:s28+$0x7D0]  }
0xb3: {  	v2 =	vshll.u32 v2, $0x3;
	v4 =	vshll.u32 v46, $0x3  }
0xb4: {  	v1 =	vshrl.u32 v1, v2;
	v2 =	vshrl.u32 v3, v4;
	v3 =	vshll.u32 v47, $0x3  }
0xb5: {  	v51 =	vshll.u32 v49, $0x3;
	v2 =	vshll.u32 v2, $0x8;
	v3 =	vshrl.u32 v48, v3  }
0xb6: {  	v1 =	vand.u32 $0xFF, v1;
	v2 =	vand.u32 $0xFF00, v2;
	v3 =	vshll.u32 v3, $0x10  }
0xb7: {  	v1 =	vor.u32 v1, v2;
	v2 =	vand.u32 $0xFF0000, v3;
	v3 =	vshrl.u32 v50, v51  }
0xb8: {  	v1 =	vor.u32 v2, v1;
	v2 =	vshll.u32 v3, $0x18  }
0xb9: {  	v1 =	vor.u32 v2, v1  }
0xba: {  	[tilespmem:s21+$0xA50] =	vst v1  }
0xbb: {  	v1 =	vld [tilespmem:s28+$0x660]  }
0xbc: {  	v2 =	vld [tilespmem:s20+$0x60]  }
0xbd: {  	v3 =	vld [tilespmem:s28+$0x6E0]  }
0xbe: {  	v52 =	vld [tilespmem:s20+$0xE0]  }
0xbf: {  	v53 =	vld [tilespmem:s20+$0x160]  }
0xc0: {  	v54 =	vld [tilespmem:s28+$0x760]  }
0xc1: {  	v55 =	vld [tilespmem:s20+$0x1E0];
	_ =	sdelay $0x1  }
0xc2: {  	v56 =	vld [tilespmem:s28+$0x7E0]  }
0xc3: {  	v2 =	vshll.u32 v2, $0x3;
	v4 =	vshll.u32 v52, $0x3  }
0xc4: {  	v1 =	vshrl.u32 v1, v2;
	v2 =	vshrl.u32 v3, v4;
	v3 =	vshll.u32 v53, $0x3  }
0xc5: {  	v57 =	vshll.u32 v55, $0x3;
	v2 =	vshll.u32 v2, $0x8;
	v3 =	vshrl.u32 v54, v3  }
0xc6: {  	v1 =	vand.u32 $0xFF, v1;
	v2 =	vand.u32 $0xFF00, v2;
	v3 =	vshll.u32 v3, $0x10  }
0xc7: {  	v1 =	vor.u32 v1, v2;
	v2 =	vand.u32 $0xFF0000, v3;
	v3 =	vshrl.u32 v56, v57  }
0xc8: {  	v1 =	vor.u32 v2, v1;
	v2 =	vshll.u32 v3, $0x18  }
0xc9: {  	v1 =	vor.u32 v2, v1  }
0xca: {  	[tilespmem:s21+$0xA60] =	vst v1  }
0xcb: {  	v1 =	vld [tilespmem:s28+$0x670]  }
0xcc: {  	v2 =	vld [tilespmem:s20+$0x70]  }
0xcd: {  	v3 =	vld [tilespmem:s28+$0x6F0]  }
0xce: {  	v58 =	vld [tilespmem:s20+$0xF0]  }
0xcf: {  	v59 =	vld [tilespmem:s20+$0x170]  }
0xd0: {  	v60 =	vld [tilespmem:s28+$0x770]  }
0xd1: {  	v61 =	vld [tilespmem:s20+$0x1F0];
	_ =	sdelay $0x1  }
0xd2: {  	v62 =	vld [tilespmem:s28+$0x7F0]  }
0xd3: {  	v2 =	vshll.u32 v2, $0x3;
	v4 =	vshll.u32 v58, $0x3  }
0xd4: {  	v1 =	vshrl.u32 v1, v2;
	v2 =	vshrl.u32 v3, v4;
	v3 =	vshll.u32 v59, $0x3  }
0xd5: {  	v63 =	vshll.u32 v61, $0x3;
	v3 =	vshrl.u32 v60, v3;
	v2 =	vshll.u32 v2, $0x8  }
0xd6: {  	v1 =	vand.u32 $0xFF, v1;
	v2 =	vand.u32 $0xFF00, v2;
	v3 =	vshll.u32 v3, $0x10  }
.Ltmp5:
0xd7: {  	v1 =	vor.u32 v1, v2;
	v2 =	vshrl.u32 v62, v63;
	v3 =	vand.u32 $0xFF0000, v3;
	(pc) =	sbr.rel .LBB2_7-.Ltmp5, $4  }
0xd8: {  	v1 =	vor.u32 v3, v1;
	v2 =	vshll.u32 v2, $0x18  }
0xd9: {  	s29 =	sshrl.u32 s18, $0x2;
	s30 =	sshrl.u32 s18, $0x5;
	v1 =	vor.u32 v2, v1  }
0xda: {  	s18 =	sadd.s32 s30, s6;
	s31 =	sor.u32 $0xA00, s21;
	s19 =	sand.u32 $0x7, s29;
	[tilespmem:s21+$0xA70] =	vst v1  }
0xdb: {  	[hbm4b:s18+s19] =	stream.linear.scatter [tilespmem:s31], [sflag:$0x4], $0x80, $0x38;
	[tilespmem:$0xB00] =	vst v63  }
.LBB2_8:
0xdc: {  	_ =	sfence.sel $0x180000  }
0xdd: {  	s2 =	simm.s32 $0x2;
	[bflag:$0x0] =	sbarrier.arrive $0xFFFF  }
0xde: {  	s29 =	simm.s32 $0x3;
	[sflag:s2] =	ssyncpa.u1 $0x1  }
0xdf: {  	s30 =	simm.s32 $0x4;
	[sflag:s29] =	ssyncpa.u1 $0x1  }
0xe0: {  	s31 =	simm.s32 $0x1;
	[sflag:s30] =	ssyncpa.u1 $0x1  }
0xe1: {  	[sflag:s31] =	ssyncpa.u1 $0x1  }
0xe2: {  	p0 =	sne.s32 s0, $0x0;
	_ =	strace $0x9000004D  }
0xe3: {  	s0 =	sadd.s32 @!p0 $0x100000, s1;
	[bflag:$0x2] =	sbarrier.arrive $0xFFFF  }
0xe4: {  	[sflag:s0] =	ssyncadd.tile.s32 @!p0 $0x1;
	_ =	shalt  }
.Lfunc_end2:
_tile_overlayer_lowered:
.L_overlay_start_2:
0xe5: {  	(tag) =	ssettag $0x2  }
0xe6: {  	s0 =	rddreg [dreg:$0x0];
	s2 =	stileid.u32  }
0xe7: {  	s1 =	rddreg [dreg:$0x1];
	p0 =	sne.s32 s2, $0x0  }
0xe8: {  	s3 =	rddreg [dreg:$0x2];
	[bflag:$0x3] =	sbarrier.arrive $0xFFFF;
	s2 =	simm.s32 @!p0 $0x1C01  }
0xe9: {  	[timem:s3], [sflag:s2] =	dma.local @!p0 [hbm:s0], s1  }
0xea: {  	s0 =	simm.s32 @!p0 $0x1  }
0xeb: {  	_ =	swait.ge @!p0 [sflag:s0], s1  }
0xec: {  	s1 =	ssub.s32 @!p0 $0x0, s1;
	[sflag:s0] =	ssyncset.done @!p0 $0x0  }
0xed: {  	[sflag:s0] =	ssyncadd.s32 @!p0 s1  }
0xee: {  	[bflag:$0x3] =	sbarrier.arrive $0xFFFF  }
0xef: {  	_ =	shalt  }

// kernel: gather_offload_async_start.2
scs
__scs_entry_jumppad:
0x0: {  	(pc) =	sbr.rel $0x88, $3  }
0x1: {  	(tag) =	ssettag $0x0;
	lr =	simm.s32 $0x1  }
0x2: {  	[smem:$0x3F9D] =	sst lr;
	_ =	strace $0xD0000000  }
0x3: {  	_ = 	snop  }
0x4: {  	_ = 	snop  }
0x5: {  	_ = 	snop  }
0x6: {  	_ = 	snop  }
0x7: {  	_ = 	snop  }
__scs_overlays_trampoline_lowered:
0x8: {  	[smem:$0x3FAC] =	sst s0  }
0x9: {  	[smem:$0x3FAD] =	sst s1  }
0xa: {  	[smem:$0x3FAE] =	sst s2  }
0xb: {  	[smem:$0x3FAF] =	sst s3  }
0xc: {  	[smem:$0x3FB0] =	sst s4  }
0xd: {  	[smem:$0x3FB1] =	sst s5  }
0xe: {  	[smem:$0x3FB2] =	sst s6  }
0xf: {  	[smem:$0x3FB3] =	sst s7  }
0x10: {  	[smem:$0x3FB4] =	sst s8  }
0x11: {  	[smem:$0x3FB5] =	sst s9;
	s0 =	simm.s32 @!p0 $0x0  }
0x12: {  	s1 =	sld [smem:$0x3F9B];
	s0 =	simm.s32 @p0 $0x1  }
0x13: {  	[smem:$0x3FB6] =	sst s0;
	s0 =	simm.s32 @!p1 $0x0  }
0x14: {  	s2 =	sld [smem:$0x3F9A];
	s0 =	simm.s32 @p1 $0x1  }
0x15: {  	[smem:$0x3FB7] =	sst s0;
	s0 =	simm.s32 @!p2 $0x0  }
0x16: {  	s3 =	sld [smem:$0x3FDB];
	s0 =	simm.s32 @p2 $0x1  }
0x17: {  	s4 =	simm.s32 $0x1BF5;
	[smem:$0x3FB9] =	sst s0  }
0x18: {  	s0 =	sld [smem:$0x3F9C];
	_ =	swait.ge [sflag:s4], $0x0  }
0x19: {  	s7 =	sld [smem:$0x3F9D]  }
0x1a: {  	s8 =	sadd.s32 $0xFFFFE003, lr  }
0x1b: {  	s9 =	sadd.s32 $0xFFFFFEF7, lr;
	s5 =	simm.s32 $0xFFFFFFFF;
	p2 =	slt.u32 s8, $0xFFFFF086  }
0x1c: {  	p1 =	slt.u32 s9, $0xF7A;
	s5 =	simm.s32 @!p2 $0x0  }
0x1d: {  	s5 =	simm.s32 @p1 $0x1;
	p0 =	seq.s32 s7, s2  }
0x1e: {  	s7 =	smul.u32 @!p0 $0xF7A, s2;
	p2 =	seq.s32 @!p0 s5, $0x0  }
0x1f: {  	s9 =	smul.u32 $0xF7A, s1;
	s8 =	simm.s32 @!p0 $0x1BF5;
	p2 =	por !p2, p0  }
0x20: {  	[sflag:s8] =	ssyncset.s32 @!p0 $0xFFFFF086;
	s6 =	sadd.s32 @!p0 s3, s7;
	s7 =	simm.s32 @!p0 $0x108  }
0x21: {  	s3 =	sadd.s32 s3, s9;
	s6 =	sadd.s32 @!p0 $0x88, s6;
	s7 =	simm.s32 @p2 $0x1082  }
0x22: {  	[simem:s7], [sflag:s8] =	dma.local @!p0 [hbm:s6], $0xF7A  }
0x23: {  	s9 =	sor.u32 $0xD0000000, s2;
	s6 =	simm.s32 $0x108;
	_ =	swait.ge @!p0 [sflag:s8], $0x0  }
0x24: {  	s3 =	sadd.s32 $0x88, s3;
	s6 =	simm.s32 @!p1 $0x1082;
	[sflag:s4] =	ssyncset.s32 $0xFFFFF086  }
0x25: {  	[simem:s6], [sflag:s4] =	dma.local [hbm:s3], $0xF7A  }
0x26: {  	[smem:$0x3F9D] =	sst s1;
	(tag) =	ssettag s2;
	_ =	strace s9  }
0x27: {  	s1 =	sld [smem:$0x3FAD]  }
0x28: {  	s2 =	sld [smem:$0x3FAE]  }
0x29: {  	s4 =	sld [smem:$0x3FB0]  }
0x2a: {  	p0 =	seq.s32 s5, $0x0;
	s5 =	sld [smem:$0x3FB1]  }
0x2b: {  	s6 =	sld [smem:$0x3FB2]  }
0x2c: {  	s7 =	sld [smem:$0x3FB3]  }
0x2d: {  	s3 =	simm.s32 $0x108;
	s8 =	sld [smem:$0x3FB4]  }
0x2e: {  	s3 =	simm.s32 @!p0 $0x1082;
	s9 =	sld [smem:$0x3FB5]  }
0x2f: {  	lr =	sadd.s32 s0, s3;
	s0 =	sld [smem:$0x3FAC]  }
0x30: {  	s3 =	sld [smem:$0x3FAF]  }
0x31: {  	[smem:$0x3FB8] =	sst s10  }
0x32: {  	s10 =	sld [smem:$0x3FB6];
	_ =	sdelay $0x3  }
0x33: {  	p0 =	seq.s32 s10, $0x1;
	s10 =	sld [smem:$0x3FB8];
	_ =	sdelay $0x3  }
0x34: {  	[smem:$0x3FB8] =	sst s10  }
0x35: {  	s10 =	sld [smem:$0x3FB7];
	_ =	sdelay $0x3  }
0x36: {  	p1 =	seq.s32 s10, $0x1;
	s10 =	sld [smem:$0x3FB8];
	_ =	sdelay $0x3  }
0x37: {  	[smem:$0x3FB8] =	sst s10  }
0x38: {  	s10 =	sld [smem:$0x3FB9]  }
0x39: {  	_ = 	snop;
	(pc) =	sbr.ind lr, $3  }
0x3a: {  	_ = 	snop  }
0x3b: {  	_ = 	snop  }
0x3c: {  	p2 =	seq.s32 s10, $0x1;
	s10 =	sld [smem:$0x3FB8]  }
0x3d: {  	_ =	shalt  }
0x3e: {  	_ =	shalt  }
0x3f: {  	_ =	shalt  }
0x40: {  	_ =	shalt  }
0x41: {  	_ =	shalt  }
0x42: {  	_ =	shalt  }
0x43: {  	_ =	shalt  }
0x44: {  	_ =	shalt  }
0x45: {  	_ =	shalt  }
0x46: {  	_ =	shalt  }
0x47: {  	_ =	shalt  }
0x48: {  	_ =	shalt  }
0x49: {  	_ =	shalt  }
0x4a: {  	_ =	shalt  }
0x4b: {  	_ =	shalt  }
0x4c: {  	_ =	shalt  }
0x4d: {  	_ =	shalt  }
0x4e: {  	_ =	shalt  }
0x4f: {  	_ =	shalt  }
0x50: {  	_ =	shalt  }
0x51: {  	_ =	shalt  }
0x52: {  	_ =	shalt  }
0x53: {  	_ =	shalt  }
0x54: {  	_ =	shalt  }
0x55: {  	_ =	shalt  }
0x56: {  	_ =	shalt  }
0x57: {  	_ =	shalt  }
0x58: {  	_ =	shalt  }
0x59: {  	_ =	shalt  }
0x5a: {  	_ =	shalt  }
0x5b: {  	_ =	shalt  }
0x5c: {  	_ =	shalt  }
0x5d: {  	_ =	shalt  }
0x5e: {  	_ =	shalt  }
0x5f: {  	_ =	shalt  }
0x60: {  	_ =	shalt  }
0x61: {  	_ =	shalt  }
0x62: {  	_ =	shalt  }
0x63: {  	_ =	shalt  }
0x64: {  	_ =	shalt  }
0x65: {  	_ =	shalt  }
0x66: {  	_ =	shalt  }
0x67: {  	_ =	shalt  }
0x68: {  	_ =	shalt  }
0x69: {  	_ =	shalt  }
0x6a: {  	_ =	shalt  }
0x6b: {  	_ =	shalt  }
0x6c: {  	_ =	shalt  }
0x6d: {  	_ =	shalt  }
0x6e: {  	_ =	shalt  }
0x6f: {  	_ =	shalt  }
0x70: {  	_ =	shalt  }
0x71: {  	_ =	shalt  }
0x72: {  	_ =	shalt  }
0x73: {  	_ =	shalt  }
0x74: {  	_ =	shalt  }
0x75: {  	_ =	shalt  }
0x76: {  	_ =	shalt  }
0x77: {  	_ =	shalt  }
0x78: {  	_ =	shalt  }
0x79: {  	_ =	shalt  }
0x7a: {  	_ =	shalt  }
0x7b: {  	_ =	shalt  }
0x7c: {  	_ =	shalt  }
0x7d: {  	_ =	shalt  }
0x7e: {  	_ =	shalt  }
0x7f: {  	_ =	shalt  }
0x80: {  	_ =	shalt  }
0x81: {  	_ =	shalt  }
0x82: {  	_ =	shalt  }
0x83: {  	_ =	shalt  }
0x84: {  	_ =	shalt  }
0x85: {  	_ =	shalt  }
0x86: {  	_ =	shalt  }
0x87: {  	_ =	shalt  }
.Lfunc_end0:
.L_simem_size_0:
called_computation.2_lowered:
.L_overlay_start_0:
0x88: {  	s2 =	sld [smem:$0x3FD9]  }
0x89: {  	s3 =	sld [smem:$0x3FFE];
	_ =	sdelay $0x1  }
0x8a: {  	s1 =	srdreg.scid  }
0x8b: {  	s0 =	sand.u32 $0x1, s1  }
0x8c: {  	s17 =	sshll.u32 s0, $0xA;
	s2 =	sadd.s32 s3, s2  }
0x8d: {  	s2 =	sadd.s32 s2, s17  }
0x8e: {  	[smem:$0x3FC4] =	sst s2  }
0x8f: {  	_ = 	snop  }
0x90: {  	(tm) =	ssettm $0x1  }
0x91: {  	s18 =	sld [smem:$0x3FFB];
	_ =	sdelay $0x3  }
0x92: {  	_ =	strace s18  }
0x93: {  	s2 =	sld [smem:$0x3FFC];
	_ =	sdelay $0x3  }
0x94: {  	_ =	strace s2  }
0x95: {  	s2 =	sld [smem:$0x3FFD];
	_ =	sdelay $0x3  }
0x96: {  	_ =	strace s2  }
0x97: {  	_ =	strace $0x8FFFFFFF  }
0x98: {  	s19 =	sld [smem:$0x3FDB];
	_ =	sdelay $0x1  }
0x99: {  	s20 =	simm.s32 $_scs_section_size  }
0x9a: {  	s4 =	simm.s32 $_size__tile_overlayer_lowered;
	s5 =	simm.s32 $_tile_overlayer_lowered  }
0x9b: {  	s6 =	simm.s32 $0x1BFF;
	s21 =	sshll.u32 s5, $0x1;
	s3 =	sadd.s32 s20, s19  }
0x9c: {  	s22 =	simm.s32 $0x0;
	s4 =	sshll.u32 s4, $0x1;
	s5 =	sadd.s32 s21, s3  }
0x9d: {  	[timem:s22], [sflag:s6] =	dma.local [hbm:s5], s4  }
0x9e: {  	_ =	swait.ge [sflag:s6], s4  }
0x9f: {  	s4 =	ssub.s32 $0x0, s4;
	[sflag:s6] =	ssyncset.done $0x0  }
0xa0: {  	[sflag:s6] =	ssyncadd.s32 s4;
	_ =	sdelay $0x1  }
0xa1: {  	s23 =	simm.s32 $0x1B8B  }
0xa2: {  	_ =	swait.ge [sflag:s23], $0x1  }
0xa3: {  	[sflag:s23] =	ssyncset.done $0x0  }
0xa4: {  	[sflag:s23] =	ssyncadd.s32 $0xFFFFFFFF  }
0xa5: {  	s4 =	sld [smem:$0x0]  }
0xa6: {  	s5 =	sand.u32 $0xFFFFFFFE, s1  }
0xa7: {  	p0 =	sne.s32 s1, s5  }
0xa8: {  	s5 =	sshll.u32 @p0 s5, $0xE  }
0xa9: {  	s5 =	sadd.s32 @p0 $0x11B8D, s5;
	s6 =	sshll.u32 @p0 s4, $0x11  }
0xaa: {  	s5 =	sor.u32 @p0 s6, s5  }
0xab: {  	[sflag:s5] =	ssyncadd.remote.s32 @p0 $0x1;
	_ =	sdelay $0x1  }
0xac: {  	s5 =	simm.s32 @p0 $0x1B8D  }
0xad: {  	_ =	swait.eq @p0 [sflag:s5], $0x1  }
0xae: {  	[sflag:s5] =	ssyncadd.s32 @p0 $0xFFFFFFFF  }
0xaf: {  	s6 =	sshll.u32 @!p0 s1, $0xE  }
0xb0: {  	s6 =	sor.u32 @!p0 $0x4000, s6;
	s5 =	simm.s32 @!p0 $0x1B8D  }
0xb1: {  	s4 =	sshll.u32 @!p0 s4, $0x11;
	s6 =	sadd.s32 @!p0 $0x11B8D, s6;
	_ =	swait.eq @!p0 [sflag:s5], $0x1  }
0xb2: {  	s4 =	sor.u32 @!p0 s4, s6;
	[sflag:s5] =	ssyncadd.s32 @!p0 $0xFFFFFFFF  }
0xb3: {  	s25 =	simm.s32 $0x1B8E;
	s24 =	sld [smem:$0x3FFE];
	[sflag:s4] =	ssyncadd.remote.s32 @!p0 $0x1  }
0xb4: {  	s26 =	simm.s32 $execute0_lowered;
	[smem:$0x3FD2] =	sst s25  }
0xb5: {  	s5 =	sshll.u32 s26, $0x1;
	_ =	strace $0x8000004F;
	[dreg:$0x1] =	wrdreg $0xFFFFFFFF  }
0xb6: {  	s28 =	simm.s32 $_size_execute0_lowered;
	s3 =	sadd.s32 s3, s5;
	[dreg:$0x0] =	wrdreg $0x0  }
0xb7: {  	s5 =	sshll.u32 s28, $0x1;
	[dreg:$0x2] =	wrdreg s3  }
0xb8: {  	[dreg:$0x3] =	wrdreg s5  }
0xb9: {  	[dreg:$0x4] =	wrdreg $0xC0  }
0xba: {  	_ =	task [dreg:s22], $0x5FFFF  }
0xbb: {  	[dreg:$0x1] =	wrdreg $0xFFFFFFFF  }
0xbc: {  	[dreg:$0x0] =	wrdreg $0x60  }
0xbd: {  	[dreg:$0x2] =	wrdreg s24  }
0xbe: {  	[dreg:$0x3] =	wrdreg $0xB  }
0xbf: {  	_ =	task.clear_ibuf [dreg:s22], $0x4FFFF;
	_ =	strace $0x9000004F  }
0xc0: {  	s29 =	simm.s32 $0xB;
	_ =	strace $0x80000051  }
0xc1: {  	_ =	swait.ge [sflag:s29], $0x1  }
0xc2: {  	[sflag:s29] =	ssyncadd.s32 $0xFFFFFFFF  }
0xc3: {  	_ =	strace $0x90000051  }
0xc4: {  	_ =	sfence  }
0xc5: {  	s30 =	sld [smem:$0x0];
	_ =	sdelay $0x2  }
0xc6: {  	s31 =	sshll.u32 s1, $0xD;
	s1 =	sshrl.u32 s1, $0x2  }
0xc7: {  	s4 =	sand.u32 $0x4000, s31;
	s1 =	sadd.s32 s1, s30  }
0xc8: {  	s0 =	sor.u32 s4, s0;
	s1 =	sshll.u32 s1, $0x11  }
0xc9: {  	s0 =	sor.u32 s1, s0  }
0xca: {  	s0 =	sadd.s32 $0x8F2B, s0  }
0xcb: {  	[sflag:s0] =	ssyncadd.remote.s32 $0x1  }
0xcc: {  	_ =	sfence.sel $0xFFFF  }
0xcd: {  	[dreg:$0x0] =	wrdreg $0xFFFFFFFF;
	(pc) =	sbr.abs _section_cstart, $3  }
0xce: {  	[dreg:$0x1] =	wrdreg $0xFFFFFFFF  }
0xcf: {  	_ =	task.clear_ibuf [dreg:s22], $0x2FFFF;
	_ =	strace $0x9FFFFFFF  }
0xd0: {  	(tm) =	ssettm $0x7FFFFFFF  }
0xd1: {  	_ =	shalt  }
tec
execute0_lowered:
.L_overlay_start_1:
0x0: {  	(tag) =	ssettag $0x1  }
0x1: {  	s0 =	srdreg.scid  }
0x2: {  	s1 =	sshll.u32 s0, $0x4  }
0x3: {  	s0 =	stileid.u32;
	s1 =	sand.u32 $0x10, s1  }
0x4: {  	s2 =	sor.u32 s0, s1  }
0x5: {  	s1 =	smin.u32 s2, $0x12  }
0x6: {  	s1 =	sadd.s32 s2, s1  }
0x7: {  	p0 =	slt.u32 s2, $0x12;
	s2 =	simm.s32 $0x320;
	s1 =	smul.u32 $0x190, s1  }
0x8: {  	s2 =	simm.s32 @!p0 $0x190  }
0x9: {  	s2 =	sadd.s32 s2, s1  }
0xa: {  	s3 =	smin.u32 s2, $0x4E20  }
0xb: {  	s7 =	ssub.s32 s3, s1  }
0xc: {  	p0 =	sgt.s32 s7, $0x0  }
0xd: {  	s7 =	simm.s32 @!p0 $0x0  }
0xe: {  	s31 =	sand.u32 $0xFFF0, s7  }
0xf: {  	s2 =	sshrl.u32 s31, $0x4  }
0x10: {  	s2 =	smul.u32 $0xA3E, s2  }
0x11: {  	s9 =	rddreg [dreg:$0x0];
	s6 =	simm.s32 $0x1;
	s11 =	simm.s32 $0x3  }
0x12: {  	s13 =	simm.s32 $0x0;
	s12 =	simm.s32 $0x0;
	s8 =	sshrl.u32 s2, $0x10  }
0x13: {  	s4 =	sadd.s32 $0x9E600, s9;
	s5 =	sadd.s32 $0x4E600, s9;
	s10 =	smul.u32 $0x190, s8  }
.Ltmp0:
0x14: {  	s9 =	sadd.s32 $0xECC00, s9;
	s2 =	rddreg [dreg:$0x1];
	(pc) =	sbr.rel .LBB2_1-.Ltmp0, $4  }
0x15: {  	_ =	strace $0x80000050;
	p0 =	sne.s32 s7, s10;
	s10 =	simm.s32 $0x1  }
0x16: {  	[sflag:s6] =	ssyncpa.u1 $0x0;
	s7 =	simm.s32 $0x2;
	s10 =	simm.s32 @!p0 $0x0  }
0x17: {  	[sflag:s7] =	ssyncpa.u1 $0x0;
	p0 =	por $0x0, $0x0;
	s8 =	sadd.s32 s8, s10  }
0x18: {  	vm0 =	vmmov $0xff;
	vm1 =	vcmask $0x3F20;
	[sflag:s11] =	ssyncpa.u1 $0x0;
	s11 =	smov.u32 s1;
	s10 =	sadd.s32 $0x1, s8  }
.LBB2_6:
0x19: {  	[hbm:s17] =	stream.linear.scatter [tilespmem:s14], [sflag:$0x3], $0x400, $0x38;
	[tilespmem:$0x19320] =	vst v63  }
.LBB2_7:
0x1a: {  	s13 =	sadd.s32 $0x190, s11  }
0x1b: {  	s15 =	smov.u32 s1;
	p2 =	slt.s32 s13, s3  }
0x1c: {  	s15 =	smov.u32 @p2 s13;
	p2 =	sne.s32 s12, s10  }
.Ltmp1:
0x1d: {  	p1 =	slt.u32 s12, $0x2;
	(pc) =	sbr.rel @!p2 .LBB2_8-.Ltmp1, $4  }
0x1e: {  	s14 =	simm.s32 @!p1 $0x3  }
0x1f: {  	s16 =	sadd.s32 $0x1, s12;
	_ =	swait.ge @!p1 [sflag:s14], $0xC800  }
0x20: {  	p0 =	por !p0, !p0;
	s13 =	smov.u32 s11;
	[sflag:s14] =	ssyncset.done @!p1 $0x0  }
0x21: {  	s12 =	smov.u32 s16;
	s11 =	smov.u32 s15;
	[sflag:s14] =	ssyncadd.s32 @!p1 $0xFFFF3800  }
.LBB2_1:
0x22: {  	p1 =	sge.u32 s12, s8  }
0x23: {  	s14 =	sxor.u32 @!p1 $0xFFFFFFFF, s12  }
0x24: {  	s14 =	sand.u32 @!p1 $0x1, s14  }
0x25: {  	s14 =	smul.u32 @!p1 $0x640, s14  }
0x26: {  	s31 =	sadd.s32 $0xFFFFFFFF, s12;
	s15 =	sshrl.u32 @!p1 s11, $0x3  }
0x27: {  	s16 =	sand.u32 @!p1 $0x7, s11;
	s15 =	sadd.s32 @!p1 s5, s15;
	s14 =	sshrl.u32 @!p1 s14, $0x2  }
0x28: {  	[tilespmem:s14], [sflag:$0x2] =	stream.linear.gather @!p1 [hbm4b:s15+s16], $0x190, $0x38;
	[tilespmem:$0x19320] =	vst v63  }
0x29: {  	p1 =	sge.u32 s31, s8  }
.Ltmp2:
0x2a: {  	_ = 	snop;
	(pc) =	sbr.rel @p1 .LBB2_7-.Ltmp2, $1  }
0x2b: {  	_ =	sdelay $0x3  }
0x2c: {  	s14 =	simm.s32 $0x1  }
0x2d: {  	s14 =	simm.s32 @!p0 $0x0  }
0x2e: {  	s15 =	smul.u32 $0x640, s14  }
0x2f: {  	_ =	swait.ge [sflag:s7], $0x190  }
0x30: {  	[sflag:s7] =	ssyncset.done $0x0;
	s16 =	sshrl.u32 s15, $0x2  }
0x31: {  	[sflag:s7] =	ssyncadd.s32 $0xFFFFFE70;
	s15 =	sadd.s32 $0x0, s16  }
0x32: {  	v0 =	vld.msk [tilespmem:s15+$0x0 ss:$0x1], $0xffff;
	_ =	sdelay $0x4  }
0x33: {  	vm2 =	vgt.s32 v0, $0x0  }
0x34: {  	v0 =	vnsel vm2, $0x0, v0  }
0x35: {  	v0 =	vmin.u32 v0, $0x4E1F  }
0x36: {  	v0 =	vshll.u32 v0, $0x4  }
0x37: {  	s14 =	smul.u32 $0x32000, s14;
	_ =	sdelay $0x1  }
0x38: {  	s14 =	sshrl.u32 s14, $0x2  }
0x39: {  	s14 =	sor.u32 $0x320, s14  }
0x3a: {  	[tilespmem:s14], [sflag:$0x1] =	stream.indirect_vreg.gather [hbm:s4], $0x80, v0, vm0, $0x38;
	[tilespmem:$0x19320] =	vst v63  }
0x3b: {  	s17 =	sadd.s32 $0x10, s16;
	s15 =	sadd.s32 $0x400, s14  }
0x3c: {  	[tilespmem:s15], [sflag:$0x1] =	stream.indirect_vreg.gather [hbm:s4], $0x80, v0, vm1, $0x38;
	[tilespmem:$0x19320] =	vst v63  }
0x3d: {  	s18 =	simm.s32 $0x80;
	v0 =	vld.msk [tilespmem:s17+$0x0 ss:$0x1], $0xffff;
	s17 =	smov.u32 s14  }
.LBB2_3:
0x3e: {  	p1 =	sne.s32 s18, $0x600;
	_ =	sdelay $0x4  }
0x3f: {  	vm2 =	vgt.s32 v0, $0x0  }
0x40: {  	v0 =	vnsel vm2, $0x0, v0  }
0x41: {  	v0 =	vmin.u32 v0, $0x4E1F  }
0x42: {  	v0 =	vshll.u32 v0, $0x4;
	_ =	sdelay $0x3  }
.Ltmp3:
0x43: {  	s19 =	sshra.s32 s18, $0x2;
	s17 =	sadd.s32 $0x800, s17;
	(pc) =	sbr.rel @p1 .LBB2_3-.Ltmp3, $4  }
0x44: {  	[tilespmem:s17], [sflag:$0x1] =	stream.indirect_vreg.gather [hbm:s4], $0x80, v0, vm0, $0x38;
	[tilespmem:$0x19320] =	vst v63  }
0x45: {  	s19 =	sadd.s32 s19, s16;
	s20 =	sadd.s32 $0x400, s17  }
0x46: {  	[tilespmem:s20], [sflag:$0x1] =	stream.indirect_vreg.gather [hbm:s4], $0x80, v0, vm1, $0x38;
	[tilespmem:$0x19320] =	vst v63  }
0x47: {  	s18 =	sadd.s32 $0x40, s18;
	v0 =	vld.msk [tilespmem:s19+$0x0 ss:$0x1], $0xffff  }
0x48: {  	_ =	sdelay $0x3  }
0x49: {  	vm2 =	vgt.s32 v0, $0x0  }
0x4a: {  	v0 =	vnsel vm2, $0x0, v0  }
0x4b: {  	v0 =	vmin.u32 v0, $0x4E1F  }
0x4c: {  	v0 =	vshll.u32 v0, $0x4;
	_ =	sdelay $0x3  }
0x4d: {  	s16 =	sadd.s32 $0x800, s17  }
0x4e: {  	[tilespmem:s16], [sflag:$0x1] =	stream.indirect_vreg.gather [hbm:s4], $0x80, v0, vm0, $0x38;
	[tilespmem:$0x19320] =	vst v63  }
0x4f: {  	s16 =	sadd.s32 $0x400, s16  }
0x50: {  	[tilespmem:s16], [sflag:$0x1] =	stream.indirect_vreg.gather [hbm:s4], $0x80, v0, vm1, $0x38;
	[tilespmem:$0x19320] =	vst v63  }
0x51: {  	s13 =	sshll.u32 s13, $0x4;
	_ =	swait.ge [sflag:s6], $0xC800  }
0x52: {  	s13 =	sadd.s32 s13, s9;
	[sflag:s6] =	ssyncset.done $0x0  }
0x53: {  	s17 =	sadd.s32 $0x0, s13;
	s16 =	simm.s32 $0x80;
	[sflag:s6] =	ssyncadd.s32 $0xFFFF3800  }
.LBB2_5:
0x54: {  	[hbm:s17] =	stream.linear.scatter [tilespmem:s14], [sflag:$0x3], $0x400, $0x38;
	[tilespmem:$0x19320] =	vst v63  }
0x55: {  	s17 =	smov.u32 s16;
	s14 =	smov.u32 s15;
	p1 =	sne.s32 s16, $0x1880  }
.Ltmp4:
0x56: {  	s16 =	sadd.s32 $0x80, s16;
	(pc) =	sbr.rel @p1 .LBB2_5-.Ltmp4, $2  }
0x57: {  	_ =	sdelay $0x2  }
0x58: {  	s15 =	sadd.s32 $0x400, s15;
	s17 =	sadd.s32 s17, s13  }
.Ltmp5:
0x59: {  	_ = 	snop;
	(pc) =	sbr.rel .LBB2_6-.Ltmp5, $1  }
0x5a: {  	_ =	sdelay $0x3  }
.LBB2_8:
0x5b: {  	_ =	sfence.sel $0x180000  }
0x5c: {  	s1 =	simm.s32 $0x2;
	[bflag:$0x0] =	sbarrier.arrive $0xFFFF  }
0x5d: {  	s30 =	simm.s32 $0x3;
	[sflag:s1] =	ssyncpa.u1 $0x1  }
0x5e: {  	s31 =	simm.s32 $0x1;
	[sflag:s30] =	ssyncpa.u1 $0x1  }
0x5f: {  	[sflag:s31] =	ssyncpa.u1 $0x1  }
0x60: {  	p0 =	sne.s32 s0, $0x0;
	_ =	strace $0x90000050  }
0x61: {  	s0 =	sadd.s32 @!p0 $0x100000, s2;
	[bflag:$0x2] =	sbarrier.arrive $0xFFFF  }
0x62: {  	[sflag:s0] =	ssyncadd.tile.s32 @!p0 $0x1;
	_ =	shalt  }
.Lfunc_end2:
_tile_overlayer_lowered:
.L_overlay_start_2:
0x63: {  	(tag) =	ssettag $0x2  }
0x64: {  	s0 =	rddreg [dreg:$0x0];
	s2 =	stileid.u32  }
0x65: {  	s1 =	rddreg [dreg:$0x1];
	p0 =	sne.s32 s2, $0x0  }
0x66: {  	s3 =	rddreg [dreg:$0x2];
	[bflag:$0x3] =	sbarrier.arrive $0xFFFF;
	s2 =	simm.s32 @!p0 $0x1C01  }
0x67: {  	[timem:s3], [sflag:s2] =	dma.local @!p0 [hbm:s0], s1  }
0x68: {  	s0 =	simm.s32 @!p0 $0x1  }
0x69: {  	_ =	swait.ge @!p0 [sflag:s0], s1  }
0x6a: {  	s1 =	ssub.s32 @!p0 $0x0, s1;
	[sflag:s0] =	ssyncset.done @!p0 $0x0  }
0x6b: {  	[sflag:s0] =	ssyncadd.s32 @!p0 s1  }
0x6c: {  	[bflag:$0x3] =	sbarrier.arrive $0xFFFF  }
0x6d: {  	_ =	shalt  }

// kernel: gather_offload_async_start.3
scs
__scs_entry_jumppad:
0x0: {  	(pc) =	sbr.rel $0x88, $3  }
0x1: {  	(tag) =	ssettag $0x0;
	lr =	simm.s32 $0x1  }
0x2: {  	[smem:$0x3F9D] =	sst lr;
	_ =	strace $0xD0000000  }
0x3: {  	_ = 	snop  }
0x4: {  	_ = 	snop  }
0x5: {  	_ = 	snop  }
0x6: {  	_ = 	snop  }
0x7: {  	_ = 	snop  }
__scs_overlays_trampoline_lowered:
0x8: {  	[smem:$0x3FAC] =	sst s0  }
0x9: {  	[smem:$0x3FAD] =	sst s1  }
0xa: {  	[smem:$0x3FAE] =	sst s2  }
0xb: {  	[smem:$0x3FAF] =	sst s3  }
0xc: {  	[smem:$0x3FB0] =	sst s4  }
0xd: {  	[smem:$0x3FB1] =	sst s5  }
0xe: {  	[smem:$0x3FB2] =	sst s6  }
0xf: {  	[smem:$0x3FB3] =	sst s7  }
0x10: {  	[smem:$0x3FB4] =	sst s8  }
0x11: {  	[smem:$0x3FB5] =	sst s9;
	s0 =	simm.s32 @!p0 $0x0  }
0x12: {  	s1 =	sld [smem:$0x3F9B];
	s0 =	simm.s32 @p0 $0x1  }
0x13: {  	[smem:$0x3FB6] =	sst s0;
	s0 =	simm.s32 @!p1 $0x0  }
0x14: {  	s2 =	sld [smem:$0x3F9A];
	s0 =	simm.s32 @p1 $0x1  }
0x15: {  	[smem:$0x3FB7] =	sst s0;
	s0 =	simm.s32 @!p2 $0x0  }
0x16: {  	s3 =	sld [smem:$0x3FDB];
	s0 =	simm.s32 @p2 $0x1  }
0x17: {  	s4 =	simm.s32 $0x1BF5;
	[smem:$0x3FB9] =	sst s0  }
0x18: {  	s0 =	sld [smem:$0x3F9C];
	_ =	swait.ge [sflag:s4], $0x0  }
0x19: {  	s7 =	sld [smem:$0x3F9D]  }
0x1a: {  	s8 =	sadd.s32 $0xFFFFE003, lr  }
0x1b: {  	s9 =	sadd.s32 $0xFFFFFEF7, lr;
	s5 =	simm.s32 $0xFFFFFFFF;
	p2 =	slt.u32 s8, $0xFFFFF086  }
0x1c: {  	p1 =	slt.u32 s9, $0xF7A;
	s5 =	simm.s32 @!p2 $0x0  }
0x1d: {  	s5 =	simm.s32 @p1 $0x1;
	p0 =	seq.s32 s7, s2  }
0x1e: {  	s7 =	smul.u32 @!p0 $0xF7A, s2;
	p2 =	seq.s32 @!p0 s5, $0x0  }
0x1f: {  	s9 =	smul.u32 $0xF7A, s1;
	s8 =	simm.s32 @!p0 $0x1BF5;
	p2 =	por !p2, p0  }
0x20: {  	[sflag:s8] =	ssyncset.s32 @!p0 $0xFFFFF086;
	s6 =	sadd.s32 @!p0 s3, s7;
	s7 =	simm.s32 @!p0 $0x108  }
0x21: {  	s3 =	sadd.s32 s3, s9;
	s6 =	sadd.s32 @!p0 $0x88, s6;
	s7 =	simm.s32 @p2 $0x1082  }
0x22: {  	[simem:s7], [sflag:s8] =	dma.local @!p0 [hbm:s6], $0xF7A  }
0x23: {  	s9 =	sor.u32 $0xD0000000, s2;
	s6 =	simm.s32 $0x108;
	_ =	swait.ge @!p0 [sflag:s8], $0x0  }
0x24: {  	s3 =	sadd.s32 $0x88, s3;
	s6 =	simm.s32 @!p1 $0x1082;
	[sflag:s4] =	ssyncset.s32 $0xFFFFF086  }
0x25: {  	[simem:s6], [sflag:s4] =	dma.local [hbm:s3], $0xF7A  }
0x26: {  	[smem:$0x3F9D] =	sst s1;
	(tag) =	ssettag s2;
	_ =	strace s9  }
0x27: {  	s1 =	sld [smem:$0x3FAD]  }
0x28: {  	s2 =	sld [smem:$0x3FAE]  }
0x29: {  	s4 =	sld [smem:$0x3FB0]  }
0x2a: {  	p0 =	seq.s32 s5, $0x0;
	s5 =	sld [smem:$0x3FB1]  }
0x2b: {  	s6 =	sld [smem:$0x3FB2]  }
0x2c: {  	s7 =	sld [smem:$0x3FB3]  }
0x2d: {  	s3 =	simm.s32 $0x108;
	s8 =	sld [smem:$0x3FB4]  }
0x2e: {  	s3 =	simm.s32 @!p0 $0x1082;
	s9 =	sld [smem:$0x3FB5]  }
0x2f: {  	lr =	sadd.s32 s0, s3;
	s0 =	sld [smem:$0x3FAC]  }
0x30: {  	s3 =	sld [smem:$0x3FAF]  }
0x31: {  	[smem:$0x3FB8] =	sst s10  }
0x32: {  	s10 =	sld [smem:$0x3FB6];
	_ =	sdelay $0x3  }
0x33: {  	p0 =	seq.s32 s10, $0x1;
	s10 =	sld [smem:$0x3FB8];
	_ =	sdelay $0x3  }
0x34: {  	[smem:$0x3FB8] =	sst s10  }
0x35: {  	s10 =	sld [smem:$0x3FB7];
	_ =	sdelay $0x3  }
0x36: {  	p1 =	seq.s32 s10, $0x1;
	s10 =	sld [smem:$0x3FB8];
	_ =	sdelay $0x3  }
0x37: {  	[smem:$0x3FB8] =	sst s10  }
0x38: {  	s10 =	sld [smem:$0x3FB9]  }
0x39: {  	_ = 	snop;
	(pc) =	sbr.ind lr, $3  }
0x3a: {  	_ = 	snop  }
0x3b: {  	_ = 	snop  }
0x3c: {  	p2 =	seq.s32 s10, $0x1;
	s10 =	sld [smem:$0x3FB8]  }
0x3d: {  	_ =	shalt  }
0x3e: {  	_ =	shalt  }
0x3f: {  	_ =	shalt  }
0x40: {  	_ =	shalt  }
0x41: {  	_ =	shalt  }
0x42: {  	_ =	shalt  }
0x43: {  	_ =	shalt  }
0x44: {  	_ =	shalt  }
0x45: {  	_ =	shalt  }
0x46: {  	_ =	shalt  }
0x47: {  	_ =	shalt  }
0x48: {  	_ =	shalt  }
0x49: {  	_ =	shalt  }
0x4a: {  	_ =	shalt  }
0x4b: {  	_ =	shalt  }
0x4c: {  	_ =	shalt  }
0x4d: {  	_ =	shalt  }
0x4e: {  	_ =	shalt  }
0x4f: {  	_ =	shalt  }
0x50: {  	_ =	shalt  }
0x51: {  	_ =	shalt  }
0x52: {  	_ =	shalt  }
0x53: {  	_ =	shalt  }
0x54: {  	_ =	shalt  }
0x55: {  	_ =	shalt  }
0x56: {  	_ =	shalt  }
0x57: {  	_ =	shalt  }
0x58: {  	_ =	shalt  }
0x59: {  	_ =	shalt  }
0x5a: {  	_ =	shalt  }
0x5b: {  	_ =	shalt  }
0x5c: {  	_ =	shalt  }
0x5d: {  	_ =	shalt  }
0x5e: {  	_ =	shalt  }
0x5f: {  	_ =	shalt  }
0x60: {  	_ =	shalt  }
0x61: {  	_ =	shalt  }
0x62: {  	_ =	shalt  }
0x63: {  	_ =	shalt  }
0x64: {  	_ =	shalt  }
0x65: {  	_ =	shalt  }
0x66: {  	_ =	shalt  }
0x67: {  	_ =	shalt  }
0x68: {  	_ =	shalt  }
0x69: {  	_ =	shalt  }
0x6a: {  	_ =	shalt  }
0x6b: {  	_ =	shalt  }
0x6c: {  	_ =	shalt  }
0x6d: {  	_ =	shalt  }
0x6e: {  	_ =	shalt  }
0x6f: {  	_ =	shalt  }
0x70: {  	_ =	shalt  }
0x71: {  	_ =	shalt  }
0x72: {  	_ =	shalt  }
0x73: {  	_ =	shalt  }
0x74: {  	_ =	shalt  }
0x75: {  	_ =	shalt  }
0x76: {  	_ =	shalt  }
0x77: {  	_ =	shalt  }
0x78: {  	_ =	shalt  }
0x79: {  	_ =	shalt  }
0x7a: {  	_ =	shalt  }
0x7b: {  	_ =	shalt  }
0x7c: {  	_ =	shalt  }
0x7d: {  	_ =	shalt  }
0x7e: {  	_ =	shalt  }
0x7f: {  	_ =	shalt  }
0x80: {  	_ =	shalt  }
0x81: {  	_ =	shalt  }
0x82: {  	_ =	shalt  }
0x83: {  	_ =	shalt  }
0x84: {  	_ =	shalt  }
0x85: {  	_ =	shalt  }
0x86: {  	_ =	shalt  }
0x87: {  	_ =	shalt  }
.Lfunc_end0:
.L_simem_size_0:
called_computation.3_lowered:
.L_overlay_start_0:
0x88: {  	s2 =	sld [smem:$0x3FD9]  }
0x89: {  	s3 =	sld [smem:$0x3FFE];
	_ =	sdelay $0x1  }
0x8a: {  	s1 =	srdreg.scid  }
0x8b: {  	s0 =	sand.u32 $0x1, s1  }
0x8c: {  	s16 =	sshll.u32 s0, $0xA;
	s2 =	sadd.s32 s3, s2  }
0x8d: {  	s2 =	sadd.s32 s2, s16  }
0x8e: {  	[smem:$0x3FC4] =	sst s2  }
0x8f: {  	_ = 	snop  }
0x90: {  	(tm) =	ssettm $0x1  }
0x91: {  	s17 =	sld [smem:$0x3FFB];
	_ =	sdelay $0x3  }
0x92: {  	_ =	strace s17  }
0x93: {  	s2 =	sld [smem:$0x3FFC];
	_ =	sdelay $0x3  }
0x94: {  	_ =	strace s2  }
0x95: {  	s2 =	sld [smem:$0x3FFD];
	_ =	sdelay $0x3  }
0x96: {  	_ =	strace s2  }
0x97: {  	_ =	strace $0x8FFFFFFF  }
0x98: {  	s18 =	sld [smem:$0x3FDB];
	_ =	sdelay $0x1  }
0x99: {  	s19 =	simm.s32 $_scs_section_size  }
0x9a: {  	s4 =	simm.s32 $_size__tile_overlayer_lowered;
	s5 =	simm.s32 $_tile_overlayer_lowered  }
0x9b: {  	s22 =	simm.s32 $0x1BFF;
	s21 =	sshll.u32 s5, $0x1;
	s2 =	sadd.s32 s19, s18  }
0x9c: {  	s6 =	simm.s32 $0x0;
	s20 =	sshll.u32 s4, $0x1;
	s4 =	sadd.s32 s21, s2  }
0x9d: {  	[timem:s6], [sflag:s22] =	dma.local [hbm:s4], s20  }
0x9e: {  	_ =	swait.ge [sflag:s22], s20  }
0x9f: {  	s3 =	ssub.s32 $0x0, s20;
	[sflag:s22] =	ssyncset.done $0x0  }
0xa0: {  	[sflag:s22] =	ssyncadd.s32 s3;
	_ =	sdelay $0x1  }
0xa1: {  	s23 =	simm.s32 $0x1B8B  }
0xa2: {  	_ =	swait.ge [sflag:s23], $0x1  }
0xa3: {  	[sflag:s23] =	ssyncset.done $0x0  }
0xa4: {  	s25 =	simm.s32 $0x1B8E;
	s24 =	sld [smem:$0x3FFE];
	[sflag:s23] =	ssyncadd.s32 $0xFFFFFFFF  }
0xa5: {  	s26 =	simm.s32 $execute0_lowered;
	[smem:$0x3FD2] =	sst s25  }
0xa6: {  	s4 =	sshll.u32 s26, $0x1;
	_ =	strace $0x80000052;
	[dreg:$0x1] =	wrdreg $0xFFFFFFFF  }
0xa7: {  	s28 =	simm.s32 $_size_execute0_lowered;
	s2 =	sadd.s32 s2, s4;
	[dreg:$0x0] =	wrdreg $0x0  }
0xa8: {  	s4 =	sshll.u32 s28, $0x1;
	[dreg:$0x2] =	wrdreg s2  }
0xa9: {  	[dreg:$0x3] =	wrdreg s4  }
0xaa: {  	[dreg:$0x4] =	wrdreg $0xC0  }
0xab: {  	_ =	task [dreg:s6], $0x5FFFF  }
0xac: {  	[dreg:$0x1] =	wrdreg $0xFFFFFFFF  }
0xad: {  	[dreg:$0x0] =	wrdreg $0x60  }
0xae: {  	[dreg:$0x2] =	wrdreg s24  }
0xaf: {  	[dreg:$0x3] =	wrdreg $0x9  }
0xb0: {  	_ =	task.clear_ibuf [dreg:s6], $0x4FFFF;
	_ =	strace $0x90000052  }
0xb1: {  	s29 =	simm.s32 $0x9;
	_ =	strace $0x80000054  }
0xb2: {  	_ =	swait.ge [sflag:s29], $0x1  }
0xb3: {  	[sflag:s29] =	ssyncadd.s32 $0xFFFFFFFF  }
0xb4: {  	_ =	strace $0x90000054  }
0xb5: {  	_ =	sfence  }
0xb6: {  	s30 =	sld [smem:$0x0];
	_ =	sdelay $0x2  }
0xb7: {  	s31 =	sshll.u32 s1, $0xD;
	s1 =	sshrl.u32 s1, $0x2  }
0xb8: {  	s3 =	sand.u32 $0x4000, s31;
	s1 =	sadd.s32 s1, s30  }
0xb9: {  	s0 =	sor.u32 s3, s0;
	s1 =	sshll.u32 s1, $0x11  }
0xba: {  	s0 =	sor.u32 s1, s0  }
0xbb: {  	s0 =	sadd.s32 $0x8F2B, s0  }
0xbc: {  	[sflag:s0] =	ssyncadd.remote.s32 $0x1  }
0xbd: {  	_ =	sfence.sel $0xFFFF  }
0xbe: {  	[dreg:$0x0] =	wrdreg $0xFFFFFFFF;
	(pc) =	sbr.abs _section_cstart, $3  }
0xbf: {  	[dreg:$0x1] =	wrdreg $0xFFFFFFFF  }
0xc0: {  	_ =	task.clear_ibuf [dreg:s6], $0x2FFFF;
	_ =	strace $0x9FFFFFFF  }
0xc1: {  	(tm) =	ssettm $0x7FFFFFFF  }
tec
execute0_lowered:
.L_overlay_start_1:
0x0: {  	(tag) =	ssettag $0x1  }
0x1: {  	s0 =	srdreg.scid  }
0x2: {  	s1 =	sshll.u32 s0, $0x4  }
0x3: {  	s0 =	stileid.u32;
	s1 =	sand.u32 $0x10, s1  }
0x4: {  	s1 =	sor.u32 s0, s1  }
0x5: {  	s2 =	smin.u32 s1, $0x8  }
0x6: {  	s2 =	sadd.s32 s1, s2  }
0x7: {  	p0 =	slt.u32 s1, $0x8;
	s1 =	simm.s32 $0x140;
	s2 =	smul.u32 $0xA0, s2  }
0x8: {  	s1 =	simm.s32 @!p0 $0xA0  }
0x9: {  	s1 =	sadd.s32 s1, s2  }
0xa: {  	s3 =	smin.u32 s1, $0x1900  }
0xb: {  	s7 =	ssub.s32 s3, s2  }
0xc: {  	p0 =	sgt.s32 s7, $0x0  }
0xd: {  	s7 =	simm.s32 @!p0 $0x0  }
0xe: {  	s31 =	smul.u32 $0xCCCD, s7  }
0xf: {  	s4 =	rddreg [dreg:$0x0];
	s6 =	simm.s32 $0x1  }
0x10: {  	s10 =	simm.s32 $0x3;
	s13 =	simm.s32 $0x0;
	s8 =	sshrl.u32 s31, $0x17  }
0x11: {  	s12 =	simm.s32 $0x0;
	s5 =	sadd.s32 $0x4F000, s4;
	s9 =	smul.u32 $0xA0, s8  }
.Ltmp0:
0x12: {  	s11 =	smov.u32 s2;
	s1 =	rddreg [dreg:$0x1];
	(pc) =	sbr.rel .LBB2_1-.Ltmp0, $4  }
0x13: {  	_ =	strace $0x80000053;
	p0 =	sne.s32 s7, s9;
	s9 =	simm.s32 $0x1  }
0x14: {  	[sflag:s6] =	ssyncpa.u1 $0x0;
	s7 =	simm.s32 $0x2;
	s9 =	simm.s32 @!p0 $0x0  }
0x15: {  	[sflag:s7] =	ssyncpa.u1 $0x0;
	p0 =	por $0x0, $0x0;
	s8 =	sadd.s32 s8, s9  }
0x16: {  	vm0 =	vmmov $0xff;
	vm1 =	vcmask $0x3F20;
	s9 =	sadd.s32 $0x400, s4;
	[sflag:s10] =	ssyncpa.u1 $0x0;
	s10 =	sadd.s32 $0x1, s8  }
.LBB2_6:
0x17: {  	[hbm:s17] =	stream.linear.scatter [tilespmem:s14], [sflag:$0x3], $0x400, $0x38;
	[tilespmem:$0xA140] =	vst v63  }
.LBB2_7:
0x18: {  	s13 =	sadd.s32 $0xA0, s11  }
0x19: {  	s15 =	smov.u32 s2;
	p2 =	slt.s32 s13, s3  }
0x1a: {  	s15 =	smov.u32 @p2 s13;
	p2 =	sne.s32 s12, s10  }
.Ltmp1:
0x1b: {  	p1 =	slt.u32 s12, $0x2;
	(pc) =	sbr.rel @!p2 .LBB2_8-.Ltmp1, $4  }
0x1c: {  	s14 =	simm.s32 @!p1 $0x3  }
0x1d: {  	s16 =	sadd.s32 $0x1, s12;
	_ =	swait.ge @!p1 [sflag:s14], $0x5000  }
0x1e: {  	p0 =	por !p0, !p0;
	s13 =	smov.u32 s11;
	[sflag:s14] =	ssyncset.done @!p1 $0x0  }
0x1f: {  	s12 =	smov.u32 s16;
	s11 =	smov.u32 s15;
	[sflag:s14] =	ssyncadd.s32 @!p1 $0xFFFFB000  }
.LBB2_1:
0x20: {  	p1 =	sge.u32 s12, s8  }
0x21: {  	s14 =	sxor.u32 @!p1 $0xFFFFFFFF, s12  }
0x22: {  	s14 =	sand.u32 @!p1 $0x1, s14  }
0x23: {  	s14 =	smul.u32 @!p1 $0x280, s14  }
0x24: {  	s31 =	sadd.s32 $0xFFFFFFFF, s12;
	s15 =	sshrl.u32 @!p1 s11, $0x3  }
0x25: {  	s16 =	sand.u32 @!p1 $0x7, s11;
	s15 =	sadd.s32 @!p1 s4, s15;
	s14 =	sshrl.u32 @!p1 s14, $0x2  }
0x26: {  	[tilespmem:s14], [sflag:$0x2] =	stream.linear.gather @!p1 [hbm4b:s15+s16], $0xA0, $0x38;
	[tilespmem:$0xA140] =	vst v63  }
0x27: {  	p1 =	sge.u32 s31, s8  }
.Ltmp2:
0x28: {  	_ = 	snop;
	(pc) =	sbr.rel @p1 .LBB2_7-.Ltmp2, $1  }
0x29: {  	_ =	sdelay $0x3  }
0x2a: {  	s14 =	simm.s32 $0x1  }
0x2b: {  	s14 =	simm.s32 @!p0 $0x0  }
0x2c: {  	s15 =	smul.u32 $0x280, s14  }
0x2d: {  	_ =	swait.ge [sflag:s7], $0xA0  }
0x2e: {  	[sflag:s7] =	ssyncset.done $0x0;
	s16 =	sshrl.u32 s15, $0x2  }
0x2f: {  	[sflag:s7] =	ssyncadd.s32 $0xFFFFFF60;
	s15 =	sadd.s32 $0x0, s16  }
0x30: {  	v0 =	vld.msk [tilespmem:s15+$0x0 ss:$0x1], $0xffff;
	_ =	sdelay $0x4  }
0x31: {  	vm2 =	vgt.s32 v0, $0x0  }
0x32: {  	v0 =	vnsel vm2, $0x0, v0  }
0x33: {  	v0 =	vmin.u32 v0, $0x4E1F  }
0x34: {  	v0 =	vshll.u32 v0, $0x4  }
0x35: {  	s14 =	smul.u32 $0x14000, s14;
	_ =	sdelay $0x1  }
0x36: {  	s14 =	sshrl.u32 s14, $0x2  }
0x37: {  	s14 =	sor.u32 $0x140, s14  }
0x38: {  	[tilespmem:s14], [sflag:$0x1] =	stream.indirect_vreg.gather [hbm:s5], $0x80, v0, vm0, $0x38;
	[tilespmem:$0xA140] =	vst v63  }
0x39: {  	s17 =	sadd.s32 $0x10, s16;
	s15 =	sadd.s32 $0x400, s14  }
0x3a: {  	[tilespmem:s15], [sflag:$0x1] =	stream.indirect_vreg.gather [hbm:s5], $0x80, v0, vm1, $0x38;
	[tilespmem:$0xA140] =	vst v63  }
0x3b: {  	s18 =	simm.s32 $0x80;
	v0 =	vld.msk [tilespmem:s17+$0x0 ss:$0x1], $0xffff;
	s17 =	smov.u32 s14  }
.LBB2_3:
0x3c: {  	p1 =	sne.s32 s18, $0x240;
	_ =	sdelay $0x4  }
0x3d: {  	vm2 =	vgt.s32 v0, $0x0  }
0x3e: {  	v0 =	vnsel vm2, $0x0, v0  }
0x3f: {  	v0 =	vmin.u32 v0, $0x4E1F  }
0x40: {  	v0 =	vshll.u32 v0, $0x4;
	_ =	sdelay $0x3  }
.Ltmp3:
0x41: {  	s19 =	sshra.s32 s18, $0x2;
	s17 =	sadd.s32 $0x800, s17;
	(pc) =	sbr.rel @p1 .LBB2_3-.Ltmp3, $4  }
0x42: {  	[tilespmem:s17], [sflag:$0x1] =	stream.indirect_vreg.gather [hbm:s5], $0x80, v0, vm0, $0x38;
	[tilespmem:$0xA140] =	vst v63  }
0x43: {  	s19 =	sadd.s32 s19, s16;
	s20 =	sadd.s32 $0x400, s17  }
0x44: {  	[tilespmem:s20], [sflag:$0x1] =	stream.indirect_vreg.gather [hbm:s5], $0x80, v0, vm1, $0x38;
	[tilespmem:$0xA140] =	vst v63  }
0x45: {  	s18 =	sadd.s32 $0x40, s18;
	v0 =	vld.msk [tilespmem:s19+$0x0 ss:$0x1], $0xffff  }
0x46: {  	_ =	sdelay $0x3  }
0x47: {  	vm2 =	vgt.s32 v0, $0x0  }
0x48: {  	v0 =	vnsel vm2, $0x0, v0  }
0x49: {  	v0 =	vmin.u32 v0, $0x4E1F  }
0x4a: {  	v0 =	vshll.u32 v0, $0x4;
	_ =	sdelay $0x3  }
0x4b: {  	s16 =	sadd.s32 $0x800, s17  }
0x4c: {  	[tilespmem:s16], [sflag:$0x1] =	stream.indirect_vreg.gather [hbm:s5], $0x80, v0, vm0, $0x38;
	[tilespmem:$0xA140] =	vst v63  }
0x4d: {  	s16 =	sadd.s32 $0x400, s16  }
0x4e: {  	[tilespmem:s16], [sflag:$0x1] =	stream.indirect_vreg.gather [hbm:s5], $0x80, v0, vm1, $0x38;
	[tilespmem:$0xA140] =	vst v63  }
0x4f: {  	s13 =	sshll.u32 s13, $0x4;
	_ =	swait.ge [sflag:s6], $0x5000  }
0x50: {  	s13 =	sadd.s32 s13, s9;
	[sflag:s6] =	ssyncset.done $0x0  }
0x51: {  	s17 =	sadd.s32 $0x0, s13;
	s16 =	simm.s32 $0x80;
	[sflag:s6] =	ssyncadd.s32 $0xFFFFB000  }
.LBB2_5:
0x52: {  	[hbm:s17] =	stream.linear.scatter [tilespmem:s14], [sflag:$0x3], $0x400, $0x38;
	[tilespmem:$0xA140] =	vst v63  }
0x53: {  	s17 =	smov.u32 s16;
	s14 =	smov.u32 s15;
	p1 =	sne.s32 s16, $0x980  }
.Ltmp4:
0x54: {  	s16 =	sadd.s32 $0x80, s16;
	(pc) =	sbr.rel @p1 .LBB2_5-.Ltmp4, $2  }
0x55: {  	_ =	sdelay $0x2  }
0x56: {  	s15 =	sadd.s32 $0x400, s15;
	s17 =	sadd.s32 s17, s13  }
.Ltmp5:
0x57: {  	_ = 	snop;
	(pc) =	sbr.rel .LBB2_6-.Ltmp5, $1  }
0x58: {  	_ =	sdelay $0x3  }
.LBB2_8:
0x59: {  	_ =	sfence.sel $0x180000  }
0x5a: {  	s2 =	simm.s32 $0x2;
	[bflag:$0x0] =	sbarrier.arrive $0xFFFF  }
0x5b: {  	s30 =	simm.s32 $0x3;
	[sflag:s2] =	ssyncpa.u1 $0x1  }
0x5c: {  	s31 =	simm.s32 $0x1;
	[sflag:s30] =	ssyncpa.u1 $0x1  }
0x5d: {  	[sflag:s31] =	ssyncpa.u1 $0x1  }
0x5e: {  	p0 =	sne.s32 s0, $0x0;
	_ =	strace $0x90000053  }
0x5f: {  	s0 =	sadd.s32 @!p0 $0x100000, s1;
	[bflag:$0x2] =	sbarrier.arrive $0xFFFF  }
0x60: {  	[sflag:s0] =	ssyncadd.tile.s32 @!p0 $0x1;
	_ =	shalt  }
.Lfunc_end2:
_tile_overlayer_lowered:
.L_overlay_start_2:
0x61: {  	(tag) =	ssettag $0x2  }
0x62: {  	s0 =	rddreg [dreg:$0x0];
	s2 =	stileid.u32  }
0x63: {  	s1 =	rddreg [dreg:$0x1];
	p0 =	sne.s32 s2, $0x0  }
0x64: {  	s3 =	rddreg [dreg:$0x2];
	[bflag:$0x3] =	sbarrier.arrive $0xFFFF;
	s2 =	simm.s32 @!p0 $0x1C01  }
0x65: {  	[timem:s3], [sflag:s2] =	dma.local @!p0 [hbm:s0], s1  }
0x66: {  	s0 =	simm.s32 @!p0 $0x1  }
0x67: {  	_ =	swait.ge @!p0 [sflag:s0], s1  }
0x68: {  	s1 =	ssub.s32 @!p0 $0x0, s1;
	[sflag:s0] =	ssyncset.done @!p0 $0x0  }
0x69: {  	[sflag:s0] =	ssyncadd.s32 @!p0 s1  }
0x6a: {  	[bflag:$0x3] =	sbarrier.arrive $0xFFFF  }
0x6b: {  	_ =	shalt  }

// kernel: gather_offload_async_start.4
scs
__scs_entry_jumppad:
0x0: {  	(pc) =	sbr.rel $0x88, $3  }
0x1: {  	(tag) =	ssettag $0x0;
	lr =	simm.s32 $0x1  }
0x2: {  	[smem:$0x3F9D] =	sst lr;
	_ =	strace $0xD0000000  }
0x3: {  	_ = 	snop  }
0x4: {  	_ = 	snop  }
0x5: {  	_ = 	snop  }
0x6: {  	_ = 	snop  }
0x7: {  	_ = 	snop  }
__scs_overlays_trampoline_lowered:
0x8: {  	[smem:$0x3FAC] =	sst s0  }
0x9: {  	[smem:$0x3FAD] =	sst s1  }
0xa: {  	[smem:$0x3FAE] =	sst s2  }
0xb: {  	[smem:$0x3FAF] =	sst s3  }
0xc: {  	[smem:$0x3FB0] =	sst s4  }
0xd: {  	[smem:$0x3FB1] =	sst s5  }
0xe: {  	[smem:$0x3FB2] =	sst s6  }
0xf: {  	[smem:$0x3FB3] =	sst s7  }
0x10: {  	[smem:$0x3FB4] =	sst s8  }
0x11: {  	[smem:$0x3FB5] =	sst s9;
	s0 =	simm.s32 @!p0 $0x0  }
0x12: {  	s1 =	sld [smem:$0x3F9B];
	s0 =	simm.s32 @p0 $0x1  }
0x13: {  	[smem:$0x3FB6] =	sst s0;
	s0 =	simm.s32 @!p1 $0x0  }
0x14: {  	s2 =	sld [smem:$0x3F9A];
	s0 =	simm.s32 @p1 $0x1  }
0x15: {  	[smem:$0x3FB7] =	sst s0;
	s0 =	simm.s32 @!p2 $0x0  }
0x16: {  	s3 =	sld [smem:$0x3FDB];
	s0 =	simm.s32 @p2 $0x1  }
0x17: {  	s4 =	simm.s32 $0x1BF5;
	[smem:$0x3FB9] =	sst s0  }
0x18: {  	s0 =	sld [smem:$0x3F9C];
	_ =	swait.ge [sflag:s4], $0x0  }
0x19: {  	s7 =	sld [smem:$0x3F9D]  }
0x1a: {  	s8 =	sadd.s32 $0xFFFFE003, lr  }
0x1b: {  	s9 =	sadd.s32 $0xFFFFFEF7, lr;
	s5 =	simm.s32 $0xFFFFFFFF;
	p2 =	slt.u32 s8, $0xFFFFF086  }
0x1c: {  	p1 =	slt.u32 s9, $0xF7A;
	s5 =	simm.s32 @!p2 $0x0  }
0x1d: {  	s5 =	simm.s32 @p1 $0x1;
	p0 =	seq.s32 s7, s2  }
0x1e: {  	s7 =	smul.u32 @!p0 $0xF7A, s2;
	p2 =	seq.s32 @!p0 s5, $0x0  }
0x1f: {  	s9 =	smul.u32 $0xF7A, s1;
	s8 =	simm.s32 @!p0 $0x1BF5;
	p2 =	por !p2, p0  }
0x20: {  	[sflag:s8] =	ssyncset.s32 @!p0 $0xFFFFF086;
	s6 =	sadd.s32 @!p0 s3, s7;
	s7 =	simm.s32 @!p0 $0x108  }
0x21: {  	s3 =	sadd.s32 s3, s9;
	s6 =	sadd.s32 @!p0 $0x88, s6;
	s7 =	simm.s32 @p2 $0x1082  }
0x22: {  	[simem:s7], [sflag:s8] =	dma.local @!p0 [hbm:s6], $0xF7A  }
0x23: {  	s9 =	sor.u32 $0xD0000000, s2;
	s6 =	simm.s32 $0x108;
	_ =	swait.ge @!p0 [sflag:s8], $0x0  }
0x24: {  	s3 =	sadd.s32 $0x88, s3;
	s6 =	simm.s32 @!p1 $0x1082;
	[sflag:s4] =	ssyncset.s32 $0xFFFFF086  }
0x25: {  	[simem:s6], [sflag:s4] =	dma.local [hbm:s3], $0xF7A  }
0x26: {  	[smem:$0x3F9D] =	sst s1;
	(tag) =	ssettag s2;
	_ =	strace s9  }
0x27: {  	s1 =	sld [smem:$0x3FAD]  }
0x28: {  	s2 =	sld [smem:$0x3FAE]  }
0x29: {  	s4 =	sld [smem:$0x3FB0]  }
0x2a: {  	p0 =	seq.s32 s5, $0x0;
	s5 =	sld [smem:$0x3FB1]  }
0x2b: {  	s6 =	sld [smem:$0x3FB2]  }
0x2c: {  	s7 =	sld [smem:$0x3FB3]  }
0x2d: {  	s3 =	simm.s32 $0x108;
	s8 =	sld [smem:$0x3FB4]  }
0x2e: {  	s3 =	simm.s32 @!p0 $0x1082;
	s9 =	sld [smem:$0x3FB5]  }
0x2f: {  	lr =	sadd.s32 s0, s3;
	s0 =	sld [smem:$0x3FAC]  }
0x30: {  	s3 =	sld [smem:$0x3FAF]  }
0x31: {  	[smem:$0x3FB8] =	sst s10  }
0x32: {  	s10 =	sld [smem:$0x3FB6];
	_ =	sdelay $0x3  }
0x33: {  	p0 =	seq.s32 s10, $0x1;
	s10 =	sld [smem:$0x3FB8];
	_ =	sdelay $0x3  }
0x34: {  	[smem:$0x3FB8] =	sst s10  }
0x35: {  	s10 =	sld [smem:$0x3FB7];
	_ =	sdelay $0x3  }
0x36: {  	p1 =	seq.s32 s10, $0x1;
	s10 =	sld [smem:$0x3FB8];
	_ =	sdelay $0x3  }
0x37: {  	[smem:$0x3FB8] =	sst s10  }
0x38: {  	s10 =	sld [smem:$0x3FB9]  }
0x39: {  	_ = 	snop;
	(pc) =	sbr.ind lr, $3  }
0x3a: {  	_ = 	snop  }
0x3b: {  	_ = 	snop  }
0x3c: {  	p2 =	seq.s32 s10, $0x1;
	s10 =	sld [smem:$0x3FB8]  }
0x3d: {  	_ =	shalt  }
0x3e: {  	_ =	shalt  }
0x3f: {  	_ =	shalt  }
0x40: {  	_ =	shalt  }
0x41: {  	_ =	shalt  }
0x42: {  	_ =	shalt  }
0x43: {  	_ =	shalt  }
0x44: {  	_ =	shalt  }
0x45: {  	_ =	shalt  }
0x46: {  	_ =	shalt  }
0x47: {  	_ =	shalt  }
0x48: {  	_ =	shalt  }
0x49: {  	_ =	shalt  }
0x4a: {  	_ =	shalt  }
0x4b: {  	_ =	shalt  }
0x4c: {  	_ =	shalt  }
0x4d: {  	_ =	shalt  }
0x4e: {  	_ =	shalt  }
0x4f: {  	_ =	shalt  }
0x50: {  	_ =	shalt  }
0x51: {  	_ =	shalt  }
0x52: {  	_ =	shalt  }
0x53: {  	_ =	shalt  }
0x54: {  	_ =	shalt  }
0x55: {  	_ =	shalt  }
0x56: {  	_ =	shalt  }
0x57: {  	_ =	shalt  }
0x58: {  	_ =	shalt  }
0x59: {  	_ =	shalt  }
0x5a: {  	_ =	shalt  }
0x5b: {  	_ =	shalt  }
0x5c: {  	_ =	shalt  }
0x5d: {  	_ =	shalt  }
0x5e: {  	_ =	shalt  }
0x5f: {  	_ =	shalt  }
0x60: {  	_ =	shalt  }
0x61: {  	_ =	shalt  }
0x62: {  	_ =	shalt  }
0x63: {  	_ =	shalt  }
0x64: {  	_ =	shalt  }
0x65: {  	_ =	shalt  }
0x66: {  	_ =	shalt  }
0x67: {  	_ =	shalt  }
0x68: {  	_ =	shalt  }
0x69: {  	_ =	shalt  }
0x6a: {  	_ =	shalt  }
0x6b: {  	_ =	shalt  }
0x6c: {  	_ =	shalt  }
0x6d: {  	_ =	shalt  }
0x6e: {  	_ =	shalt  }
0x6f: {  	_ =	shalt  }
0x70: {  	_ =	shalt  }
0x71: {  	_ =	shalt  }
0x72: {  	_ =	shalt  }
0x73: {  	_ =	shalt  }
0x74: {  	_ =	shalt  }
0x75: {  	_ =	shalt  }
0x76: {  	_ =	shalt  }
0x77: {  	_ =	shalt  }
0x78: {  	_ =	shalt  }
0x79: {  	_ =	shalt  }
0x7a: {  	_ =	shalt  }
0x7b: {  	_ =	shalt  }
0x7c: {  	_ =	shalt  }
0x7d: {  	_ =	shalt  }
0x7e: {  	_ =	shalt  }
0x7f: {  	_ =	shalt  }
0x80: {  	_ =	shalt  }
0x81: {  	_ =	shalt  }
0x82: {  	_ =	shalt  }
0x83: {  	_ =	shalt  }
0x84: {  	_ =	shalt  }
0x85: {  	_ =	shalt  }
0x86: {  	_ =	shalt  }
0x87: {  	_ =	shalt  }
.Lfunc_end0:
.L_simem_size_0:
called_computation.4_lowered:
.L_overlay_start_0:
0x88: {  	s2 =	sld [smem:$0x3FD9]  }
0x89: {  	s3 =	sld [smem:$0x3FFE];
	_ =	sdelay $0x1  }
0x8a: {  	s1 =	srdreg.scid  }
0x8b: {  	s0 =	sand.u32 $0x1, s1  }
0x8c: {  	s17 =	sshll.u32 s0, $0xA;
	s2 =	sadd.s32 s3, s2  }
0x8d: {  	s2 =	sadd.s32 s2, s17  }
0x8e: {  	[smem:$0x3FC4] =	sst s2  }
0x8f: {  	_ = 	snop  }
0x90: {  	(tm) =	ssettm $0x1  }
0x91: {  	s18 =	sld [smem:$0x3FFB];
	_ =	sdelay $0x3  }
0x92: {  	_ =	strace s18  }
0x93: {  	s2 =	sld [smem:$0x3FFC];
	_ =	sdelay $0x3  }
0x94: {  	_ =	strace s2  }
0x95: {  	s2 =	sld [smem:$0x3FFD];
	_ =	sdelay $0x3  }
0x96: {  	_ =	strace s2  }
0x97: {  	_ =	strace $0x8FFFFFFF  }
0x98: {  	s19 =	sld [smem:$0x3FDB];
	_ =	sdelay $0x1  }
0x99: {  	s20 =	simm.s32 $_scs_section_size  }
0x9a: {  	s4 =	simm.s32 $_size__tile_overlayer_lowered;
	s5 =	simm.s32 $_tile_overlayer_lowered  }
0x9b: {  	s6 =	simm.s32 $0x1BFF;
	s21 =	sshll.u32 s5, $0x1;
	s3 =	sadd.s32 s20, s19  }
0x9c: {  	s22 =	simm.s32 $0x0;
	s4 =	sshll.u32 s4, $0x1;
	s5 =	sadd.s32 s21, s3  }
0x9d: {  	[timem:s22], [sflag:s6] =	dma.local [hbm:s5], s4  }
0x9e: {  	_ =	swait.ge [sflag:s6], s4  }
0x9f: {  	s4 =	ssub.s32 $0x0, s4;
	[sflag:s6] =	ssyncset.done $0x0  }
0xa0: {  	[sflag:s6] =	ssyncadd.s32 s4;
	_ =	sdelay $0x1  }
0xa1: {  	s23 =	simm.s32 $0x1B8B  }
0xa2: {  	_ =	swait.ge [sflag:s23], $0x1  }
0xa3: {  	[sflag:s23] =	ssyncset.done $0x0  }
0xa4: {  	[sflag:s23] =	ssyncadd.s32 $0xFFFFFFFF  }
0xa5: {  	s4 =	sld [smem:$0x0]  }
0xa6: {  	s5 =	sand.u32 $0xFFFFFFFE, s1  }
0xa7: {  	p0 =	sne.s32 s1, s5  }
0xa8: {  	s5 =	sshll.u32 @p0 s5, $0xE  }
0xa9: {  	s5 =	sadd.s32 @p0 $0x11B8D, s5;
	s6 =	sshll.u32 @p0 s4, $0x11  }
0xaa: {  	s5 =	sor.u32 @p0 s6, s5  }
0xab: {  	[sflag:s5] =	ssyncadd.remote.s32 @p0 $0x1;
	_ =	sdelay $0x1  }
0xac: {  	s5 =	simm.s32 @p0 $0x1B8D  }
0xad: {  	_ =	swait.eq @p0 [sflag:s5], $0x1  }
0xae: {  	[sflag:s5] =	ssyncadd.s32 @p0 $0xFFFFFFFF  }
0xaf: {  	s6 =	sshll.u32 @!p0 s1, $0xE  }
0xb0: {  	s6 =	sor.u32 @!p0 $0x4000, s6;
	s5 =	simm.s32 @!p0 $0x1B8D  }
0xb1: {  	s4 =	sshll.u32 @!p0 s4, $0x11;
	s6 =	sadd.s32 @!p0 $0x11B8D, s6;
	_ =	swait.eq @!p0 [sflag:s5], $0x1  }
0xb2: {  	s4 =	sor.u32 @!p0 s4, s6;
	[sflag:s5] =	ssyncadd.s32 @!p0 $0xFFFFFFFF  }
0xb3: {  	s25 =	simm.s32 $0x1B8E;
	s24 =	sld [smem:$0x3FFE];
	[sflag:s4] =	ssyncadd.remote.s32 @!p0 $0x1  }
0xb4: {  	s26 =	simm.s32 $execute0_lowered;
	[smem:$0x3FD2] =	sst s25  }
0xb5: {  	s5 =	sshll.u32 s26, $0x1;
	_ =	strace $0x80000049;
	[dreg:$0x1] =	wrdreg $0xFFFFFFFF  }
0xb6: {  	s28 =	simm.s32 $_size_execute0_lowered;
	s3 =	sadd.s32 s3, s5;
	[dreg:$0x0] =	wrdreg $0x0  }
0xb7: {  	s5 =	sshll.u32 s28, $0x1;
	[dreg:$0x2] =	wrdreg s3  }
0xb8: {  	[dreg:$0x3] =	wrdreg s5  }
0xb9: {  	[dreg:$0x4] =	wrdreg $0xC0  }
0xba: {  	_ =	task [dreg:s22], $0x5FFFF  }
0xbb: {  	[dreg:$0x1] =	wrdreg $0xFFFFFFFF  }
0xbc: {  	[dreg:$0x0] =	wrdreg $0x60  }
0xbd: {  	[dreg:$0x2] =	wrdreg s24  }
0xbe: {  	[dreg:$0x3] =	wrdreg $0xC  }
0xbf: {  	_ =	task.clear_ibuf [dreg:s22], $0x4FFFF;
	_ =	strace $0x90000049  }
0xc0: {  	s29 =	simm.s32 $0xC;
	_ =	strace $0x8000004B  }
0xc1: {  	_ =	swait.ge [sflag:s29], $0x1  }
0xc2: {  	[sflag:s29] =	ssyncadd.s32 $0xFFFFFFFF  }
0xc3: {  	_ =	strace $0x9000004B  }
0xc4: {  	_ =	sfence  }
0xc5: {  	s30 =	sld [smem:$0x0];
	_ =	sdelay $0x2  }
0xc6: {  	s31 =	sshll.u32 s1, $0xD;
	s1 =	sshrl.u32 s1, $0x2  }
0xc7: {  	s4 =	sand.u32 $0x4000, s31;
	s1 =	sadd.s32 s1, s30  }
0xc8: {  	s0 =	sor.u32 s4, s0;
	s1 =	sshll.u32 s1, $0x11  }
0xc9: {  	s0 =	sor.u32 s1, s0  }
0xca: {  	s0 =	sadd.s32 $0x8F2B, s0  }
0xcb: {  	[sflag:s0] =	ssyncadd.remote.s32 $0x1  }
0xcc: {  	_ =	sfence.sel $0xFFFF  }
0xcd: {  	[dreg:$0x0] =	wrdreg $0xFFFFFFFF;
	(pc) =	sbr.abs _section_cstart, $3  }
0xce: {  	[dreg:$0x1] =	wrdreg $0xFFFFFFFF  }
0xcf: {  	_ =	task.clear_ibuf [dreg:s22], $0x2FFFF;
	_ =	strace $0x9FFFFFFF  }
0xd0: {  	(tm) =	ssettm $0x7FFFFFFF  }
0xd1: {  	_ =	shalt  }
tec
execute0_lowered:
.L_overlay_start_1:
0x0: {  	(tag) =	ssettag $0x1  }
0x1: {  	s8 =	rddreg [dreg:$0x0]  }
0x2: {  	s0 =	rddreg [dreg:$0x1];
	_ =	strace $0x8000004A;
	s1 =	stileid.u32  }
0x3: {  	s3 =	srdreg.scid;
	s4 =	simm.s32 $0x1;
	s7 =	simm.s32 $0x1  }
0x4: {  	s9 =	simm.s32 $0x1;
	s10 =	simm.s32 $0x3;
	s13 =	simm.s32 $0x0  }
0x5: {  	s12 =	simm.s32 $0x0;
	s5 =	sand.u32 $0x1, s3;
	s6 =	sshll.u32 s1, $0x1  }
0x6: {  	s2 =	sadd.s32 $0x9D200, s8;
	s3 =	sadd.s32 $0x4E600, s8;
	s5 =	sor.u32 s6, s5  }
.Ltmp0:
0x7: {  	[sflag:s4] =	ssyncpa.u1 $0x0;
	p0 =	slt.u32 s5, $0x13;
	(pc) =	sbr.rel .LBB2_1-.Ltmp0, $4  }
0x8: {  	s6 =	simm.s32 $0x2;
	s7 =	simm.s32 @!p0 $0x0;
	p0 =	sne.s32 s5, $0x12  }
0x9: {  	[sflag:s6] =	ssyncpa.u1 $0x0;
	s5 =	smul.u32 $0x190, s5;
	s9 =	simm.s32 @!p0 $0x0  }
0xa: {  	s8 =	sadd.s32 $0x9DC00, s8;
	[sflag:s10] =	ssyncpa.u1 $0x0;
	s7 =	sadd.s32 s9, s7  }
0xb: {  	vm0 =	vmmov $0xffff;
	s10 =	simm.s32 $0x0;
	s11 =	smov.u32 s5;
	s9 =	sadd.s32 $0x1, s7  }
.LBB2_4:
0xc: {  	v2 =	vnsel vm1, $0x0, v2  }
0xd: {  	vm1 =	vgt.s32 v0, $0x0;
	v2 =	vmin.u32 v2, $0x4E1F  }
0xe: {  	v0 =	vnsel vm1, $0x0, v0  }
0xf: {  	v0 =	vmin.u32 v0, $0x4E1F  }
0x10: {  	[tilespmem:s18], [sflag:$0x1] =	stream.indirect_vreg.gather [hbm4b:s2+s10], $0x1, v1, vm0, $0x4038;
	[tilespmem:$0x640] =	vst v63  }
0x11: {  	(ifvalue) =	ssetifvalue $0x7FFFFFFF  }
0x12: {  	[tilespmem:s15], [sflag:$0x1] =	stream.indirect_vreg.gather [hbm4b:s2+s10], $0x1, v2, vm0, $0x4038;
	[tilespmem:$0x640] =	vst v63  }
0x13: {  	s29 =	sadd.s32 $0x10, s15;
	(ifvalue) =	ssetifvalue $0x7FFFFFFF  }
0x14: {  	[tilespmem:s29], [sflag:$0x1] =	stream.indirect_vreg.gather [hbm4b:s2+s10], $0x1, v0, vm0, $0x4038;
	[tilespmem:$0x640] =	vst v63  }
0x15: {  	_ =	swait.ge [sflag:s4], $0x190  }
0x16: {  	s30 =	sshrl.u32 s13, $0x3;
	[sflag:s4] =	ssyncset.done $0x0  }
0x17: {  	s31 =	sand.u32 $0x7, s13;
	s15 =	sadd.s32 s8, s30;
	[sflag:s4] =	ssyncadd.s32 $0xFFFFFE70  }
0x18: {  	[hbm4b:s15+s31] =	stream.linear.scatter [tilespmem:s14], [sflag:$0x3], $0x190, $0x38;
	[tilespmem:$0x640] =	vst v63  }
.LBB2_5:
0x19: {  	s15 =	sadd.s32 $0x3200, s11  }
0x1a: {  	p1 =	sgt.s32 s15, $0x4E1F  }
0x1b: {  	s15 =	smov.u32 @p1 s5;
	p1 =	sne.s32 s12, s9  }
.Ltmp1:
0x1c: {  	p0 =	slt.u32 s12, $0x2;
	(pc) =	sbr.rel @!p1 .LBB2_6-.Ltmp1, $4  }
0x1d: {  	s14 =	simm.s32 @!p0 $0x3  }
0x1e: {  	_ =	swait.ge @!p0 [sflag:s14], $0x190  }
0x1f: {  	s16 =	sadd.s32 $0x1, s12;
	s13 =	smov.u32 s11;
	[sflag:s14] =	ssyncset.done @!p0 $0x0  }
0x20: {  	s12 =	smov.u32 s16;
	s11 =	smov.u32 s15;
	[sflag:s14] =	ssyncadd.s32 @!p0 $0xFFFFFE70  }
.LBB2_1:
0x21: {  	p0 =	sge.u32 s12, s7  }
0x22: {  	s14 =	sxor.u32 @!p0 $0x1, s12  }
0x23: {  	s14 =	smul.u32 @!p0 $0x640, s14  }
0x24: {  	s31 =	sadd.s32 $0xFFFFFFFF, s12;
	s15 =	sshrl.u32 @!p0 s11, $0x3  }
0x25: {  	s16 =	sand.u32 @!p0 $0x7, s11;
	s15 =	sadd.s32 @!p0 s3, s15;
	s14 =	sshra.s32 @!p0 s14, $0x2  }
0x26: {  	[tilespmem:s14], [sflag:$0x2] =	stream.linear.gather @!p0 [hbm4b:s15+s16], $0x190, $0x38;
	[tilespmem:$0x640] =	vst v63  }
0x27: {  	p0 =	sge.u32 s31, s7  }
.Ltmp2:
0x28: {  	_ = 	snop;
	(pc) =	sbr.rel @p0 .LBB2_5-.Ltmp2, $1  }
0x29: {  	_ =	sdelay $0x3  }
0x2a: {  	s14 =	sand.u32 $0x1, s12  }
0x2b: {  	_ =	swait.ge [sflag:s6], $0x190;
	p0 =	seq.s32 s14, $0x1;
	s14 =	simm.s32 $0x190  }
0x2c: {  	[sflag:s6] =	ssyncset.done $0x0;
	s14 =	simm.s32 @!p0 $0x0  }
0x2d: {  	[sflag:s6] =	ssyncadd.s32 $0xFFFFFE70;
	(ifvalue) =	ssetifvalue $0x7FFFFFFF;
	v0 =	vld.msk [tilespmem:s14+$0x0 ss:$0x1], $0xffff;
	_ =	sdelay $0x4  }
0x2e: {  	s15 =	sadd.s32 $0x10, s14;
	vm1 =	vgt.s32 v0, $0x0  }
0x2f: {  	v2 =	vld.msk [tilespmem:s15+$0x0 ss:$0x1], $0xffff;
	v1 =	vnsel vm1, $0x0, v0  }
0x30: {  	v1 =	vmin.u32 v1, $0x4E1F;
	_ =	sdelay $0x2  }
0x31: {  	s17 =	simm.s32 $0x20;
	s14 =	sadd.s32 $0x320, s14;
	s16 =	sadd.s32 $0x10, s15  }
0x32: {  	s15 =	sadd.s32 $0x10, s14;
	s18 =	smov.u32 s14;
	v0 =	vld.msk [tilespmem:s16+$0x0 ss:$0x1], $0xffff;
	vm1 =	vgt.s32 v2, $0x0;
	(ifvalue) =	ssetifvalue $0x7FFFFFFF  }
.LBB2_3:
0x33: {  	[tilespmem:s18], [sflag:$0x1] =	stream.indirect_vreg.gather [hbm4b:s2+s10], $0x1, v1, vm0, $0x4038;
	[tilespmem:$0x640] =	vst v63  }
0x34: {  	s17 =	sadd.s32 $0x10, s17  }
0x35: {  	v2 =	vnsel vm1, $0x0, v2;
	p0 =	slt.u32 s17, $0x180  }
.Ltmp3:
0x36: {  	s18 =	smov.u32 s15;
	v1 =	vmin.u32 v2, $0x4E1F;
	(pc) =	sbr.rel @p0 .LBB2_3-.Ltmp3, $3  }
0x37: {  	_ =	sdelay $0x1  }
0x38: {  	s16 =	sadd.s32 $0x10, s16  }
0x39: {  	vm1 =	vgt.s32 v0, $0x0;
	s15 =	sadd.s32 $0x10, s15;
	v2 =	vmov v0;
	(ifvalue) =	ssetifvalue $0x7FFFFFFF;
	v0 =	vld.msk [tilespmem:s16+$0x0 ss:$0x1], $0xffff  }
.Ltmp4:
0x3a: {  	_ = 	snop;
	(pc) =	sbr.rel .LBB2_4-.Ltmp4, $1  }
0x3b: {  	_ =	sdelay $0x3  }
.LBB2_6:
0x3c: {  	_ =	sfence.sel $0x180000  }
0x3d: {  	s2 =	simm.s32 $0x2;
	[bflag:$0x0] =	sbarrier.arrive $0xFFFF  }
0x3e: {  	s30 =	simm.s32 $0x3;
	[sflag:s2] =	ssyncpa.u1 $0x1  }
0x3f: {  	s31 =	simm.s32 $0x1;
	[sflag:s30] =	ssyncpa.u1 $0x1  }
0x40: {  	[sflag:s31] =	ssyncpa.u1 $0x1  }
0x41: {  	p0 =	sne.s32 s1, $0x0;
	_ =	strace $0x9000004A  }
0x42: {  	s0 =	sadd.s32 @!p0 $0x100000, s0;
	[bflag:$0x2] =	sbarrier.arrive $0xFFFF  }
0x43: {  	[sflag:s0] =	ssyncadd.tile.s32 @!p0 $0x1;
	_ =	shalt  }
.Lfunc_end2:
_tile_overlayer_lowered:
.L_overlay_start_2:
0x44: {  	(tag) =	ssettag $0x2  }
0x45: {  	s0 =	rddreg [dreg:$0x0];
	s2 =	stileid.u32  }
0x46: {  	s1 =	rddreg [dreg:$0x1];
	p0 =	sne.s32 s2, $0x0  }
0x47: {  	s3 =	rddreg [dreg:$0x2];
	[bflag:$0x3] =	sbarrier.arrive $0xFFFF;
	s2 =	simm.s32 @!p0 $0x1C01  }
0x48: {  	[timem:s3], [sflag:s2] =	dma.local @!p0 [hbm:s0], s1  }
0x49: {  	s0 =	simm.s32 @!p0 $0x1  }
0x4a: {  	_ =	swait.ge @!p0 [sflag:s0], s1  }
0x4b: {  	s1 =	ssub.s32 @!p0 $0x0, s1;
	[sflag:s0] =	ssyncset.done @!p0 $0x0  }
0x4c: {  	[sflag:s0] =	ssyncadd.s32 @!p0 s1  }
0x4d: {  	[bflag:$0x3] =	sbarrier.arrive $0xFFFF  }
0x4e: {  	_ =	shalt  }

// kernel: gather_offload_async_start
scs
__scs_entry_jumppad:
0x0: {  	(pc) =	sbr.rel $0x88, $3  }
0x1: {  	(tag) =	ssettag $0x0;
	lr =	simm.s32 $0x1  }
0x2: {  	[smem:$0x3F9D] =	sst lr;
	_ =	strace $0xD0000000  }
0x3: {  	_ = 	snop  }
0x4: {  	_ = 	snop  }
0x5: {  	_ = 	snop  }
0x6: {  	_ = 	snop  }
0x7: {  	_ = 	snop  }
__scs_overlays_trampoline_lowered:
0x8: {  	[smem:$0x3FAC] =	sst s0  }
0x9: {  	[smem:$0x3FAD] =	sst s1  }
0xa: {  	[smem:$0x3FAE] =	sst s2  }
0xb: {  	[smem:$0x3FAF] =	sst s3  }
0xc: {  	[smem:$0x3FB0] =	sst s4  }
0xd: {  	[smem:$0x3FB1] =	sst s5  }
0xe: {  	[smem:$0x3FB2] =	sst s6  }
0xf: {  	[smem:$0x3FB3] =	sst s7  }
0x10: {  	[smem:$0x3FB4] =	sst s8  }
0x11: {  	[smem:$0x3FB5] =	sst s9;
	s0 =	simm.s32 @!p0 $0x0  }
0x12: {  	s1 =	sld [smem:$0x3F9B];
	s0 =	simm.s32 @p0 $0x1  }
0x13: {  	[smem:$0x3FB6] =	sst s0;
	s0 =	simm.s32 @!p1 $0x0  }
0x14: {  	s2 =	sld [smem:$0x3F9A];
	s0 =	simm.s32 @p1 $0x1  }
0x15: {  	[smem:$0x3FB7] =	sst s0;
	s0 =	simm.s32 @!p2 $0x0  }
0x16: {  	s3 =	sld [smem:$0x3FDB];
	s0 =	simm.s32 @p2 $0x1  }
0x17: {  	s4 =	simm.s32 $0x1BF5;
	[smem:$0x3FB9] =	sst s0  }
0x18: {  	s0 =	sld [smem:$0x3F9C];
	_ =	swait.ge [sflag:s4], $0x0  }
0x19: {  	s7 =	sld [smem:$0x3F9D]  }
0x1a: {  	s8 =	sadd.s32 $0xFFFFE003, lr  }
0x1b: {  	s9 =	sadd.s32 $0xFFFFFEF7, lr;
	s5 =	simm.s32 $0xFFFFFFFF;
	p2 =	slt.u32 s8, $0xFFFFF086  }
0x1c: {  	p1 =	slt.u32 s9, $0xF7A;
	s5 =	simm.s32 @!p2 $0x0  }
0x1d: {  	s5 =	simm.s32 @p1 $0x1;
	p0 =	seq.s32 s7, s2  }
0x1e: {  	s7 =	smul.u32 @!p0 $0xF7A, s2;
	p2 =	seq.s32 @!p0 s5, $0x0  }
0x1f: {  	s9 =	smul.u32 $0xF7A, s1;
	s8 =	simm.s32 @!p0 $0x1BF5;
	p2 =	por !p2, p0  }
0x20: {  	[sflag:s8] =	ssyncset.s32 @!p0 $0xFFFFF086;
	s6 =	sadd.s32 @!p0 s3, s7;
	s7 =	simm.s32 @!p0 $0x108  }
0x21: {  	s3 =	sadd.s32 s3, s9;
	s6 =	sadd.s32 @!p0 $0x88, s6;
	s7 =	simm.s32 @p2 $0x1082  }
0x22: {  	[simem:s7], [sflag:s8] =	dma.local @!p0 [hbm:s6], $0xF7A  }
0x23: {  	s9 =	sor.u32 $0xD0000000, s2;
	s6 =	simm.s32 $0x108;
	_ =	swait.ge @!p0 [sflag:s8], $0x0  }
0x24: {  	s3 =	sadd.s32 $0x88, s3;
	s6 =	simm.s32 @!p1 $0x1082;
	[sflag:s4] =	ssyncset.s32 $0xFFFFF086  }
0x25: {  	[simem:s6], [sflag:s4] =	dma.local [hbm:s3], $0xF7A  }
0x26: {  	[smem:$0x3F9D] =	sst s1;
	(tag) =	ssettag s2;
	_ =	strace s9  }
0x27: {  	s1 =	sld [smem:$0x3FAD]  }
0x28: {  	s2 =	sld [smem:$0x3FAE]  }
0x29: {  	s4 =	sld [smem:$0x3FB0]  }
0x2a: {  	p0 =	seq.s32 s5, $0x0;
	s5 =	sld [smem:$0x3FB1]  }
0x2b: {  	s6 =	sld [smem:$0x3FB2]  }
0x2c: {  	s7 =	sld [smem:$0x3FB3]  }
0x2d: {  	s3 =	simm.s32 $0x108;
	s8 =	sld [smem:$0x3FB4]  }
0x2e: {  	s3 =	simm.s32 @!p0 $0x1082;
	s9 =	sld [smem:$0x3FB5]  }
0x2f: {  	lr =	sadd.s32 s0, s3;
	s0 =	sld [smem:$0x3FAC]  }
0x30: {  	s3 =	sld [smem:$0x3FAF]  }
0x31: {  	[smem:$0x3FB8] =	sst s10  }
0x32: {  	s10 =	sld [smem:$0x3FB6];
	_ =	sdelay $0x3  }
0x33: {  	p0 =	seq.s32 s10, $0x1;
	s10 =	sld [smem:$0x3FB8];
	_ =	sdelay $0x3  }
0x34: {  	[smem:$0x3FB8] =	sst s10  }
0x35: {  	s10 =	sld [smem:$0x3FB7];
	_ =	sdelay $0x3  }
0x36: {  	p1 =	seq.s32 s10, $0x1;
	s10 =	sld [smem:$0x3FB8];
	_ =	sdelay $0x3  }
0x37: {  	[smem:$0x3FB8] =	sst s10  }
0x38: {  	s10 =	sld [smem:$0x3FB9]  }
0x39: {  	_ = 	snop;
	(pc) =	sbr.ind lr, $3  }
0x3a: {  	_ = 	snop  }
0x3b: {  	_ = 	snop  }
0x3c: {  	p2 =	seq.s32 s10, $0x1;
	s10 =	sld [smem:$0x3FB8]  }
0x3d: {  	_ =	shalt  }
0x3e: {  	_ =	shalt  }
0x3f: {  	_ =	shalt  }
0x40: {  	_ =	shalt  }
0x41: {  	_ =	shalt  }
0x42: {  	_ =	shalt  }
0x43: {  	_ =	shalt  }
0x44: {  	_ =	shalt  }
0x45: {  	_ =	shalt  }
0x46: {  	_ =	shalt  }
0x47: {  	_ =	shalt  }
0x48: {  	_ =	shalt  }
0x49: {  	_ =	shalt  }
0x4a: {  	_ =	shalt  }
0x4b: {  	_ =	shalt  }
0x4c: {  	_ =	shalt  }
0x4d: {  	_ =	shalt  }
0x4e: {  	_ =	shalt  }
0x4f: {  	_ =	shalt  }
0x50: {  	_ =	shalt  }
0x51: {  	_ =	shalt  }
0x52: {  	_ =	shalt  }
0x53: {  	_ =	shalt  }
0x54: {  	_ =	shalt  }
0x55: {  	_ =	shalt  }
0x56: {  	_ =	shalt  }
0x57: {  	_ =	shalt  }
0x58: {  	_ =	shalt  }
0x59: {  	_ =	shalt  }
0x5a: {  	_ =	shalt  }
0x5b: {  	_ =	shalt  }
0x5c: {  	_ =	shalt  }
0x5d: {  	_ =	shalt  }
0x5e: {  	_ =	shalt  }
0x5f: {  	_ =	shalt  }
0x60: {  	_ =	shalt  }
0x61: {  	_ =	shalt  }
0x62: {  	_ =	shalt  }
0x63: {  	_ =	shalt  }
0x64: {  	_ =	shalt  }
0x65: {  	_ =	shalt  }
0x66: {  	_ =	shalt  }
0x67: {  	_ =	shalt  }
0x68: {  	_ =	shalt  }
0x69: {  	_ =	shalt  }
0x6a: {  	_ =	shalt  }
0x6b: {  	_ =	shalt  }
0x6c: {  	_ =	shalt  }
0x6d: {  	_ =	shalt  }
0x6e: {  	_ =	shalt  }
0x6f: {  	_ =	shalt  }
0x70: {  	_ =	shalt  }
0x71: {  	_ =	shalt  }
0x72: {  	_ =	shalt  }
0x73: {  	_ =	shalt  }
0x74: {  	_ =	shalt  }
0x75: {  	_ =	shalt  }
0x76: {  	_ =	shalt  }
0x77: {  	_ =	shalt  }
0x78: {  	_ =	shalt  }
0x79: {  	_ =	shalt  }
0x7a: {  	_ =	shalt  }
0x7b: {  	_ =	shalt  }
0x7c: {  	_ =	shalt  }
0x7d: {  	_ =	shalt  }
0x7e: {  	_ =	shalt  }
0x7f: {  	_ =	shalt  }
0x80: {  	_ =	shalt  }
0x81: {  	_ =	shalt  }
0x82: {  	_ =	shalt  }
0x83: {  	_ =	shalt  }
0x84: {  	_ =	shalt  }
0x85: {  	_ =	shalt  }
0x86: {  	_ =	shalt  }
0x87: {  	_ =	shalt  }
.Lfunc_end0:
.L_simem_size_0:
called_computation_lowered:
.L_overlay_start_0:
0x88: {  	s2 =	sld [smem:$0x3FD9]  }
0x89: {  	s3 =	sld [smem:$0x3FFE];
	_ =	sdelay $0x1  }
0x8a: {  	s1 =	srdreg.scid  }
0x8b: {  	s0 =	sand.u32 $0x1, s1  }
0x8c: {  	s16 =	sshll.u32 s0, $0xA;
	s2 =	sadd.s32 s3, s2  }
0x8d: {  	s2 =	sadd.s32 s2, s16  }
0x8e: {  	[smem:$0x3FC4] =	sst s2  }
0x8f: {  	_ = 	snop  }
0x90: {  	(tm) =	ssettm $0x1  }
0x91: {  	s17 =	sld [smem:$0x3FFB];
	_ =	sdelay $0x3  }
0x92: {  	_ =	strace s17  }
0x93: {  	s2 =	sld [smem:$0x3FFC];
	_ =	sdelay $0x3  }
0x94: {  	_ =	strace s2  }
0x95: {  	s2 =	sld [smem:$0x3FFD];
	_ =	sdelay $0x3  }
0x96: {  	_ =	strace s2  }
0x97: {  	_ =	strace $0x8FFFFFFF  }
0x98: {  	s18 =	sld [smem:$0x3FDB];
	_ =	sdelay $0x1  }
0x99: {  	s19 =	simm.s32 $_scs_section_size  }
0x9a: {  	s4 =	simm.s32 $_size__tile_overlayer_lowered;
	s5 =	simm.s32 $_tile_overlayer_lowered  }
0x9b: {  	s22 =	simm.s32 $0x1BFF;
	s21 =	sshll.u32 s5, $0x1;
	s2 =	sadd.s32 s19, s18  }
0x9c: {  	s6 =	simm.s32 $0x0;
	s20 =	sshll.u32 s4, $0x1;
	s4 =	sadd.s32 s21, s2  }
0x9d: {  	[timem:s6], [sflag:s22] =	dma.local [hbm:s4], s20  }
0x9e: {  	_ =	swait.ge [sflag:s22], s20  }
0x9f: {  	s3 =	ssub.s32 $0x0, s20;
	[sflag:s22] =	ssyncset.done $0x0  }
0xa0: {  	[sflag:s22] =	ssyncadd.s32 s3;
	_ =	sdelay $0x1  }
0xa1: {  	s23 =	simm.s32 $0x1B8B  }
0xa2: {  	_ =	swait.ge [sflag:s23], $0x1  }
0xa3: {  	[sflag:s23] =	ssyncset.done $0x0  }
0xa4: {  	s25 =	simm.s32 $0x1B8E;
	s24 =	sld [smem:$0x3FFE];
	[sflag:s23] =	ssyncadd.s32 $0xFFFFFFFF  }
0xa5: {  	s26 =	simm.s32 $execute0_lowered;
	[smem:$0x3FD2] =	sst s25  }
0xa6: {  	s4 =	sshll.u32 s26, $0x1;
	_ =	strace $0x80000046;
	[dreg:$0x1] =	wrdreg $0xFFFFFFFF  }
0xa7: {  	s28 =	simm.s32 $_size_execute0_lowered;
	s2 =	sadd.s32 s2, s4;
	[dreg:$0x0] =	wrdreg $0x0  }
0xa8: {  	s4 =	sshll.u32 s28, $0x1;
	[dreg:$0x2] =	wrdreg s2  }
0xa9: {  	[dreg:$0x3] =	wrdreg s4  }
0xaa: {  	[dreg:$0x4] =	wrdreg $0xC0  }
0xab: {  	_ =	task [dreg:s6], $0x5FFFF  }
0xac: {  	[dreg:$0x1] =	wrdreg $0xFFFFFFFF  }
0xad: {  	[dreg:$0x0] =	wrdreg $0x60  }
0xae: {  	[dreg:$0x2] =	wrdreg s24  }
0xaf: {  	[dreg:$0x3] =	wrdreg $0x9  }
0xb0: {  	_ =	task.clear_ibuf [dreg:s6], $0x4FFFF;
	_ =	strace $0x90000046  }
0xb1: {  	s29 =	simm.s32 $0x9;
	_ =	strace $0x80000048  }
0xb2: {  	_ =	swait.ge [sflag:s29], $0x1  }
0xb3: {  	[sflag:s29] =	ssyncadd.s32 $0xFFFFFFFF  }
0xb4: {  	_ =	strace $0x90000048  }
0xb5: {  	_ =	sfence  }
0xb6: {  	s30 =	sld [smem:$0x0];
	_ =	sdelay $0x2  }
0xb7: {  	s31 =	sshll.u32 s1, $0xD;
	s1 =	sshrl.u32 s1, $0x2  }
0xb8: {  	s3 =	sand.u32 $0x4000, s31;
	s1 =	sadd.s32 s1, s30  }
0xb9: {  	s0 =	sor.u32 s3, s0;
	s1 =	sshll.u32 s1, $0x11  }
0xba: {  	s0 =	sor.u32 s1, s0  }
0xbb: {  	s0 =	sadd.s32 $0x8F2B, s0  }
0xbc: {  	[sflag:s0] =	ssyncadd.remote.s32 $0x1  }
0xbd: {  	_ =	sfence.sel $0xFFFF  }
0xbe: {  	[dreg:$0x0] =	wrdreg $0xFFFFFFFF;
	(pc) =	sbr.abs _section_cstart, $3  }
0xbf: {  	[dreg:$0x1] =	wrdreg $0xFFFFFFFF  }
0xc0: {  	_ =	task.clear_ibuf [dreg:s6], $0x2FFFF;
	_ =	strace $0x9FFFFFFF  }
0xc1: {  	(tm) =	ssettm $0x7FFFFFFF  }
tec
execute0_lowered:
.L_overlay_start_1:
0x0: {  	(tag) =	ssettag $0x1  }
0x1: {  	s0 =	srdreg.scid  }
0x2: {  	s1 =	sshll.u32 s0, $0x4  }
0x3: {  	s0 =	stileid.u32;
	s1 =	sand.u32 $0x10, s1  }
0x4: {  	s2 =	sor.u32 s0, s1  }
0x5: {  	s1 =	smin.u32 s2, $0x12  }
0x6: {  	s1 =	sadd.s32 s2, s1  }
0x7: {  	p0 =	slt.u32 s2, $0x12;
	s2 =	simm.s32 $0x320;
	s1 =	smul.u32 $0x190, s1  }
0x8: {  	s2 =	simm.s32 @!p0 $0x190  }
0x9: {  	s2 =	sadd.s32 s2, s1  }
0xa: {  	s3 =	smin.u32 s2, $0x4E20  }
0xb: {  	s7 =	ssub.s32 s3, s1  }
0xc: {  	p0 =	sgt.s32 s7, $0x0  }
0xd: {  	s7 =	simm.s32 @!p0 $0x0  }
0xe: {  	s31 =	sand.u32 $0xFFF0, s7  }
0xf: {  	s2 =	sshrl.u32 s31, $0x4  }
0x10: {  	s2 =	smul.u32 $0xA3E, s2  }
0x11: {  	s4 =	rddreg [dreg:$0x0];
	s6 =	simm.s32 $0x1  }
0x12: {  	s10 =	simm.s32 $0x3;
	s13 =	simm.s32 $0x0;
	s8 =	sshrl.u32 s2, $0x10  }
0x13: {  	s12 =	simm.s32 $0x0;
	s5 =	sadd.s32 $0x4E600, s4;
	s9 =	smul.u32 $0x190, s8  }
.Ltmp0:
0x14: {  	s11 =	smov.u32 s1;
	s2 =	rddreg [dreg:$0x1];
	(pc) =	sbr.rel .LBB2_1-.Ltmp0, $4  }
0x15: {  	_ =	strace $0x80000047;
	p0 =	sne.s32 s7, s9;
	s9 =	simm.s32 $0x1  }
0x16: {  	[sflag:s6] =	ssyncpa.u1 $0x0;
	s7 =	simm.s32 $0x2;
	s9 =	simm.s32 @!p0 $0x0  }
0x17: {  	[sflag:s7] =	ssyncpa.u1 $0x0;
	p0 =	por $0x0, $0x0;
	s8 =	sadd.s32 s8, s9  }
0x18: {  	vm0 =	vmmov $0xff;
	vm1 =	vcmask $0x3F20;
	s9 =	sadd.s32 $0x4F000, s4;
	[sflag:s10] =	ssyncpa.u1 $0x0;
	s10 =	sadd.s32 $0x1, s8  }
.LBB2_6:
0x19: {  	[hbm:s17] =	stream.linear.scatter [tilespmem:s14], [sflag:$0x3], $0x400, $0x38;
	[tilespmem:$0x19320] =	vst v63  }
.LBB2_7:
0x1a: {  	s13 =	sadd.s32 $0x190, s11  }
0x1b: {  	s15 =	smov.u32 s1;
	p2 =	slt.s32 s13, s3  }
0x1c: {  	s15 =	smov.u32 @p2 s13;
	p2 =	sne.s32 s12, s10  }
.Ltmp1:
0x1d: {  	p1 =	slt.u32 s12, $0x2;
	(pc) =	sbr.rel @!p2 .LBB2_8-.Ltmp1, $4  }
0x1e: {  	s14 =	simm.s32 @!p1 $0x3  }
0x1f: {  	s16 =	sadd.s32 $0x1, s12;
	_ =	swait.ge @!p1 [sflag:s14], $0xC800  }
0x20: {  	p0 =	por !p0, !p0;
	s13 =	smov.u32 s11;
	[sflag:s14] =	ssyncset.done @!p1 $0x0  }
0x21: {  	s12 =	smov.u32 s16;
	s11 =	smov.u32 s15;
	[sflag:s14] =	ssyncadd.s32 @!p1 $0xFFFF3800  }
.LBB2_1:
0x22: {  	p1 =	sge.u32 s12, s8  }
0x23: {  	s14 =	sxor.u32 @!p1 $0xFFFFFFFF, s12  }
0x24: {  	s14 =	sand.u32 @!p1 $0x1, s14  }
0x25: {  	s14 =	smul.u32 @!p1 $0x640, s14  }
0x26: {  	s31 =	sadd.s32 $0xFFFFFFFF, s12;
	s15 =	sshrl.u32 @!p1 s11, $0x3  }
0x27: {  	s16 =	sand.u32 @!p1 $0x7, s11;
	s15 =	sadd.s32 @!p1 s5, s15;
	s14 =	sshrl.u32 @!p1 s14, $0x2  }
0x28: {  	[tilespmem:s14], [sflag:$0x2] =	stream.linear.gather @!p1 [hbm4b:s15+s16], $0x190, $0x38;
	[tilespmem:$0x19320] =	vst v63  }
0x29: {  	p1 =	sge.u32 s31, s8  }
.Ltmp2:
0x2a: {  	_ = 	snop;
	(pc) =	sbr.rel @p1 .LBB2_7-.Ltmp2, $1  }
0x2b: {  	_ =	sdelay $0x3  }
0x2c: {  	s14 =	simm.s32 $0x1  }
0x2d: {  	s14 =	simm.s32 @!p0 $0x0  }
0x2e: {  	s15 =	smul.u32 $0x640, s14  }
0x2f: {  	_ =	swait.ge [sflag:s7], $0x190  }
0x30: {  	[sflag:s7] =	ssyncset.done $0x0;
	s16 =	sshrl.u32 s15, $0x2  }
0x31: {  	[sflag:s7] =	ssyncadd.s32 $0xFFFFFE70;
	s15 =	sadd.s32 $0x0, s16  }
0x32: {  	v0 =	vld.msk [tilespmem:s15+$0x0 ss:$0x1], $0xffff;
	_ =	sdelay $0x4  }
0x33: {  	vm2 =	vgt.s32 v0, $0x0  }
0x34: {  	v0 =	vnsel vm2, $0x0, v0  }
0x35: {  	v0 =	vmin.u32 v0, $0x4E1F  }
0x36: {  	v0 =	vshll.u32 v0, $0x4  }
0x37: {  	s14 =	smul.u32 $0x32000, s14;
	_ =	sdelay $0x1  }
0x38: {  	s14 =	sshrl.u32 s14, $0x2  }
0x39: {  	s14 =	sor.u32 $0x320, s14  }
0x3a: {  	[tilespmem:s14], [sflag:$0x1] =	stream.indirect_vreg.gather [hbm:s4], $0x80, v0, vm0, $0x38;
	[tilespmem:$0x19320] =	vst v63  }
0x3b: {  	s17 =	sadd.s32 $0x10, s16;
	s15 =	sadd.s32 $0x400, s14  }
0x3c: {  	[tilespmem:s15], [sflag:$0x1] =	stream.indirect_vreg.gather [hbm:s4], $0x80, v0, vm1, $0x38;
	[tilespmem:$0x19320] =	vst v63  }
0x3d: {  	s18 =	simm.s32 $0x80;
	v0 =	vld.msk [tilespmem:s17+$0x0 ss:$0x1], $0xffff;
	s17 =	smov.u32 s14  }
.LBB2_3:
0x3e: {  	p1 =	sne.s32 s18, $0x600;
	_ =	sdelay $0x4  }
0x3f: {  	vm2 =	vgt.s32 v0, $0x0  }
0x40: {  	v0 =	vnsel vm2, $0x0, v0  }
0x41: {  	v0 =	vmin.u32 v0, $0x4E1F  }
0x42: {  	v0 =	vshll.u32 v0, $0x4;
	_ =	sdelay $0x3  }
.Ltmp3:
0x43: {  	s19 =	sshra.s32 s18, $0x2;
	s17 =	sadd.s32 $0x800, s17;
	(pc) =	sbr.rel @p1 .LBB2_3-.Ltmp3, $4  }
0x44: {  	[tilespmem:s17], [sflag:$0x1] =	stream.indirect_vreg.gather [hbm:s4], $0x80, v0, vm0, $0x38;
	[tilespmem:$0x19320] =	vst v63  }
0x45: {  	s19 =	sadd.s32 s19, s16;
	s20 =	sadd.s32 $0x400, s17  }
0x46: {  	[tilespmem:s20], [sflag:$0x1] =	stream.indirect_vreg.gather [hbm:s4], $0x80, v0, vm1, $0x38;
	[tilespmem:$0x19320] =	vst v63  }
0x47: {  	s18 =	sadd.s32 $0x40, s18;
	v0 =	vld.msk [tilespmem:s19+$0x0 ss:$0x1], $0xffff  }
0x48: {  	_ =	sdelay $0x3  }
0x49: {  	vm2 =	vgt.s32 v0, $0x0  }
0x4a: {  	v0 =	vnsel vm2, $0x0, v0  }
0x4b: {  	v0 =	vmin.u32 v0, $0x4E1F  }
0x4c: {  	v0 =	vshll.u32 v0, $0x4;
	_ =	sdelay $0x3  }
0x4d: {  	s16 =	sadd.s32 $0x800, s17  }
0x4e: {  	[tilespmem:s16], [sflag:$0x1] =	stream.indirect_vreg.gather [hbm:s4], $0x80, v0, vm0, $0x38;
	[tilespmem:$0x19320] =	vst v63  }
0x4f: {  	s16 =	sadd.s32 $0x400, s16  }
0x50: {  	[tilespmem:s16], [sflag:$0x1] =	stream.indirect_vreg.gather [hbm:s4], $0x80, v0, vm1, $0x38;
	[tilespmem:$0x19320] =	vst v63  }
0x51: {  	s13 =	sshll.u32 s13, $0x4;
	_ =	swait.ge [sflag:s6], $0xC800  }
0x52: {  	s13 =	sadd.s32 s13, s9;
	[sflag:s6] =	ssyncset.done $0x0  }
0x53: {  	s17 =	sadd.s32 $0x0, s13;
	s16 =	simm.s32 $0x80;
	[sflag:s6] =	ssyncadd.s32 $0xFFFF3800  }
.LBB2_5:
0x54: {  	[hbm:s17] =	stream.linear.scatter [tilespmem:s14], [sflag:$0x3], $0x400, $0x38;
	[tilespmem:$0x19320] =	vst v63  }
0x55: {  	s17 =	smov.u32 s16;
	s14 =	smov.u32 s15;
	p1 =	sne.s32 s16, $0x1880  }
.Ltmp4:
0x56: {  	s16 =	sadd.s32 $0x80, s16;
	(pc) =	sbr.rel @p1 .LBB2_5-.Ltmp4, $2  }
0x57: {  	_ =	sdelay $0x2  }
0x58: {  	s15 =	sadd.s32 $0x400, s15;
	s17 =	sadd.s32 s17, s13  }
.Ltmp5:
0x59: {  	_ = 	snop;
	(pc) =	sbr.rel .LBB2_6-.Ltmp5, $1  }
0x5a: {  	_ =	sdelay $0x3  }
.LBB2_8:
0x5b: {  	_ =	sfence.sel $0x180000  }
0x5c: {  	s1 =	simm.s32 $0x2;
	[bflag:$0x0] =	sbarrier.arrive $0xFFFF  }
0x5d: {  	s30 =	simm.s32 $0x3;
	[sflag:s1] =	ssyncpa.u1 $0x1  }
0x5e: {  	s31 =	simm.s32 $0x1;
	[sflag:s30] =	ssyncpa.u1 $0x1  }
0x5f: {  	[sflag:s31] =	ssyncpa.u1 $0x1  }
0x60: {  	p0 =	sne.s32 s0, $0x0;
	_ =	strace $0x90000047  }
0x61: {  	s0 =	sadd.s32 @!p0 $0x100000, s2;
	[bflag:$0x2] =	sbarrier.arrive $0xFFFF  }
0x62: {  	[sflag:s0] =	ssyncadd.tile.s32 @!p0 $0x1;
	_ =	shalt  }
.Lfunc_end2:
_tile_overlayer_lowered:
.L_overlay_start_2:
0x63: {  	(tag) =	ssettag $0x2  }
0x64: {  	s0 =	rddreg [dreg:$0x0];
	s2 =	stileid.u32  }
0x65: {  	s1 =	rddreg [dreg:$0x1];
	p0 =	sne.s32 s2, $0x0  }
0x66: {  	s3 =	rddreg [dreg:$0x2];
	[bflag:$0x3] =	sbarrier.arrive $0xFFFF;
	s2 =	simm.s32 @!p0 $0x1C01  }
0x67: {  	[timem:s3], [sflag:s2] =	dma.local @!p0 [hbm:s0], s1  }
0x68: {  	s0 =	simm.s32 @!p0 $0x1  }
0x69: {  	_ =	swait.ge @!p0 [sflag:s0], s1  }
0x6a: {  	s1 =	ssub.s32 @!p0 $0x0, s1;
	[sflag:s0] =	ssyncset.done @!p0 $0x0  }
0x6b: {  	[sflag:s0] =	ssyncadd.s32 @!p0 s1  }
0x6c: {  	[bflag:$0x3] =	sbarrier.arrive $0xFFFF  }
0x6d: {  	_ =	shalt  }

</sc_bundles>
